<compile_context>
chip_gen: v7x
topology: tpu7x:2x2x1
jax: 0.10.2.dev20260603
libtpu: 0.0.44.dev20260713+nightly
codegen_flags: <defaults>
</compile_context>

<pallas_src>
import functools

import jax
import jax.numpy as jnp
from jax import lax
from jax.experimental import pallas as pl
from jax.experimental.pallas import tpu as pltpu
from jax.experimental.pallas import tpu_sc as plsc


def _sc_broadcast(pe_table, B, S, D, split):
    info = plsc.get_sparse_core_info()
    NW = info.num_cores
    rows = S - split
    rows_per_w = rows // NW
    CH = min(256, rows_per_w)
    nchunk = rows_per_w // CH

    mesh = plsc.ScalarSubcoreMesh(axis_name="c")

    @functools.partial(
        pl.kernel,
        out_type=jax.ShapeDtypeStruct((B, S, D), pe_table.dtype),
        mesh=mesh,
        scratch_types=[
            pltpu.VMEM_SHARED((CH, D), pe_table.dtype),
            pltpu.VMEM_SHARED((CH, D), pe_table.dtype),
            pltpu.SemaphoreType.DMA,
            pltpu.SemaphoreType.DMA,
            pltpu.SemaphoreType.DMA,
            pltpu.SemaphoreType.DMA,
        ],
    )
    def sc_copy(pe_hbm, out_hbm, buf0, buf1, isem0, isem1, osem0, osem1):
        wid = lax.axis_index("c")
        base = split + wid * rows_per_w
        bufs = (buf0, buf1)
        isems = (isem0, isem1)
        osems = (osem0, osem1)

        def in_cp(ci):
            return pltpu.make_async_copy(
                pe_hbm.at[pl.ds(base + ci * CH, CH)], bufs[ci % 2], isems[ci % 2]
            )

        def out_cp(ci, b):
            return pltpu.make_async_copy(
                bufs[ci % 2], out_hbm.at[b, pl.ds(base + ci * CH, CH)], osems[ci % 2]
            )

        in_cp(0).start()
        for ci in range(nchunk):
            in_cp(ci).wait()
            if ci >= 1:
                for b in range(B):
                    out_cp(ci - 1, b).wait()
            if ci + 1 < nchunk:
                in_cp(ci + 1).start()
            for b in range(B):
                out_cp(ci, b).start()
        for b in range(B):
            out_cp(nchunk - 1, b).wait()

    return sc_copy(pe_table)


def _tc_broadcast(pe_table, prev, B, S, D, split):
    NCHUNK = 8
    CS = split // NCHUNK

    def body(pe_hbm, prev_hbm, o_hbm, vmem, in_sems, out_sems):
        def in_copy(c):
            return pltpu.make_async_copy(
                pe_hbm.at[pl.ds(c * CS, CS)],
                vmem.at[pl.ds(c * CS, CS)],
                in_sems.at[c],
            )

        def out_copy(c, b):
            return pltpu.make_async_copy(
                vmem.at[pl.ds(c * CS, CS)],
                o_hbm.at[b, pl.ds(c * CS, CS)],
                out_sems.at[c, b],
            )

        for c in range(NCHUNK):
            in_copy(c).start()
        for c in range(NCHUNK):
            in_copy(c).wait()
            for b in range(B):
                out_copy(c, b).start()
        for c in range(NCHUNK):
            for b in range(B):
                out_copy(c, b).wait()

    return pl.pallas_call(
        body,
        in_specs=[
            pl.BlockSpec(memory_space=pl.ANY),
            pl.BlockSpec(memory_space=pl.ANY),
        ],
        out_specs=pl.BlockSpec(memory_space=pl.ANY),
        out_shape=jax.ShapeDtypeStruct((B, S, D), pe_table.dtype),
        input_output_aliases={1: 0},
        scratch_shapes=[
            pltpu.VMEM((split, D), pe_table.dtype),
            pltpu.SemaphoreType.DMA((NCHUNK,)),
            pltpu.SemaphoreType.DMA((NCHUNK, B)),
        ],
    )(pe_table, prev)


def kernel(x, pe_table):
    B, S, D = x.shape
    SPLIT = S // 2
    pe = pe_table[:S]
    partial_out = _sc_broadcast(pe, B, S, D, SPLIT)
    return _tc_broadcast(pe, partial_out, B, S, D, SPLIT)

# --- scband reference (transcript-rebuilt; emitter-appended) ---
"""Pipeline reference for scband-learned-positional-encoding-21595095564877 (READ-ONLY COPY).

The authoritative reference and input builder live on the scoring server;
editing this copy changes nothing except your own understanding.
"""

import jax, jax.numpy as jnp
import numpy as np

B, S, D = 4, 8192, 1024
MAX_LEN = 8192

def setup_inputs(seed: int = 0) -> dict:
    key = jax.random.key(seed)
    k1, k2 = jax.random.split(key)
    x = jax.random.normal(k1, (B, S, D), dtype=jnp.float32)
    pe_table = jax.random.normal(k2, (MAX_LEN, D), dtype=jnp.float32)
    return {"x": x, "pe_table": pe_table}

def reference(x, pe_table):
    Sx = x.shape[1]
    pos = jnp.arange(Sx)
    pe = jnp.take(pe_table, pos, axis=0)  # [S, D] embedding gather
    out = jnp.broadcast_to(pe[None, :, :], (x.shape[0], Sx, pe.shape[-1]))
    return out

if __name__ == "__main__":
    import jax
    _d = setup_inputs()
    print(jax.jit(kernel)(*tuple(_d.values())))

</pallas_src>

<mosaic_0001>
#map = affine_map<(d0) -> (0, 0)>
#map1 = affine_map<(d0) -> (0, 0, 0)>
module attributes {stable_mosaic.version = 14 : i64} {
  func.func @sc_copy(%arg0: i32, %arg1: memref<8192x1024xf32, #tpu.memory_space<hbm>>, %arg2: memref<4x8192x1024xf32, #tpu.memory_space<hbm>>, %arg3: memref<256x1024xf32, #tpu.memory_space<vmem_shared>>, %arg4: memref<256x1024xf32, #tpu.memory_space<vmem_shared>>, %arg5: memref<!tpu.dma_semaphore, #tpu.memory_space<semaphore_mem>>, %arg6: memref<!tpu.dma_semaphore, #tpu.memory_space<semaphore_mem>>, %arg7: memref<!tpu.dma_semaphore, #tpu.memory_space<semaphore_mem>>, %arg8: memref<!tpu.dma_semaphore, #tpu.memory_space<semaphore_mem>>) attributes {dimension_semantics = [#tpu.dimension_semantics<core_parallel>], iteration_bounds = array<i64: 2>, scalar_prefetch = 0 : i64, scratch_operands = 6 : i64, tpu.core_type = #tpu.core_type<sc_scalar_subcore>, window_params = [{transform_indices = #map}, {transform_indices = #map1}]} {
    %mul3A = arith.constant 2048 : i32
    %mul3A_0 = arith.muli %arg0, %mul3A : i32
    %add3A = arith.constant 4096 : i32
    %add3A_1 = arith.addi %add3A, %mul3A_0 : i32
    %add3A_2 = arith.constant 0 : i32
    %add3A_3 = arith.addi %add3A_1, %add3A_2 : i32
    %dma_start3A = arith.constant 0 : i32
    %dma_start3A_4 = tpu.memref_slice %arg1[%add3A_3, %dma_start3A] : memref<8192x1024xf32, #tpu.memory_space<hbm>> -> memref<256x1024xf32, #tpu.memory_space<hbm>>
    tpu.enqueue_dma source(%dma_start3A_4 : memref<256x1024xf32, #tpu.memory_space<hbm>>) target(%arg3 : memref<256x1024xf32, #tpu.memory_space<vmem_shared>>) target_semaphore(%arg5 : memref<!tpu.dma_semaphore, #tpu.memory_space<semaphore_mem>>)
    %add3A_5 = arith.constant 0 : i32
    %add3A_6 = arith.addi %add3A_1, %add3A_5 : i32
    %dma_wait3A = arith.constant 0 : i32
    %dma_wait3A_7 = tpu.memref_slice %arg1[%add3A_6, %dma_wait3A] : memref<8192x1024xf32, #tpu.memory_space<hbm>> -> memref<256x1024xf32, #tpu.memory_space<hbm>>
    tpu.wait_dma2 semaphore(%arg5 : memref<!tpu.dma_semaphore, #tpu.memory_space<semaphore_mem>>) src(%dma_wait3A_7 : memref<256x1024xf32, #tpu.memory_space<hbm>>) dst(%arg3 : memref<256x1024xf32, #tpu.memory_space<vmem_shared>>)
    %add3A_8 = arith.constant 256 : i32
    %add3A_9 = arith.addi %add3A_1, %add3A_8 : i32
    %dma_start3A_10 = arith.constant 0 : i32
    %dma_start3A_11 = tpu.memref_slice %arg1[%add3A_9, %dma_start3A_10] : memref<8192x1024xf32, #tpu.memory_space<hbm>> -> memref<256x1024xf32, #tpu.memory_space<hbm>>
    tpu.enqueue_dma source(%dma_start3A_11 : memref<256x1024xf32, #tpu.memory_space<hbm>>) target(%arg4 : memref<256x1024xf32, #tpu.memory_space<vmem_shared>>) target_semaphore(%arg6 : memref<!tpu.dma_semaphore, #tpu.memory_space<semaphore_mem>>)
    %add3A_12 = arith.constant 0 : i32
    %add3A_13 = arith.addi %add3A_1, %add3A_12 : i32
    %dma_start3A_14 = arith.constant 0 : i32
    %dma_start3A_15 = arith.constant 0 : i32
    %dma_start3A_16 = tpu.memref_slice %arg2[%dma_start3A_14, %add3A_13, %dma_start3A_15] : memref<4x8192x1024xf32, #tpu.memory_space<hbm>> -> memref<1x256x1024xf32, #tpu.memory_space<hbm>>
    %dma_start3A_17 = tpu.memref_squeeze %dma_start3A_16 : memref<1x256x1024xf32, #tpu.memory_space<hbm>> -> memref<256x1024xf32, #tpu.memory_space<hbm>>
    tpu.enqueue_dma source(%arg3 : memref<256x1024xf32, #tpu.memory_space<vmem_shared>>) target(%dma_start3A_17 : memref<256x1024xf32, #tpu.memory_space<hbm>>) target_semaphore(%arg7 : memref<!tpu.dma_semaphore, #tpu.memory_space<semaphore_mem>>)
    %add3A_18 = arith.constant 0 : i32
    %add3A_19 = arith.addi %add3A_1, %add3A_18 : i32
    %dma_start3A_20 = arith.constant 1 : i32
    %dma_start3A_21 = arith.constant 0 : i32
    %dma_start3A_22 = tpu.memref_slice %arg2[%dma_start3A_20, %add3A_19, %dma_start3A_21] : memref<4x8192x1024xf32, #tpu.memory_space<hbm>> -> memref<1x256x1024xf32, #tpu.memory_space<hbm>>
    %dma_start3A_23 = tpu.memref_squeeze %dma_start3A_22 : memref<1x256x1024xf32, #tpu.memory_space<hbm>> -> memref<256x1024xf32, #tpu.memory_space<hbm>>
    tpu.enqueue_dma source(%arg3 : memref<256x1024xf32, #tpu.memory_space<vmem_shared>>) target(%dma_start3A_23 : memref<256x1024xf32, #tpu.memory_space<hbm>>) target_semaphore(%arg7 : memref<!tpu.dma_semaphore, #tpu.memory_space<semaphore_mem>>)
    %add3A_24 = arith.constant 0 : i32
    %add3A_25 = arith.addi %add3A_1, %add3A_24 : i32
    %dma_start3A_26 = arith.constant 2 : i32
    %dma_start3A_27 = arith.constant 0 : i32
    %dma_start3A_28 = tpu.memref_slice %arg2[%dma_start3A_26, %add3A_25, %dma_start3A_27] : memref<4x8192x1024xf32, #tpu.memory_space<hbm>> -> memref<1x256x1024xf32, #tpu.memory_space<hbm>>
    %dma_start3A_29 = tpu.memref_squeeze %dma_start3A_28 : memref<1x256x1024xf32, #tpu.memory_space<hbm>> -> memref<256x1024xf32, #tpu.memory_space<hbm>>
    tpu.enqueue_dma source(%arg3 : memref<256x1024xf32, #tpu.memory_space<vmem_shared>>) target(%dma_start3A_29 : memref<256x1024xf32, #tpu.memory_space<hbm>>) target_semaphore(%arg7 : memref<!tpu.dma_semaphore, #tpu.memory_space<semaphore_mem>>)
    %add3A_30 = arith.constant 0 : i32
    %add3A_31 = arith.addi %add3A_1, %add3A_30 : i32
    %dma_start3A_32 = arith.constant 3 : i32
    %dma_start3A_33 = arith.constant 0 : i32
    %dma_start3A_34 = tpu.memref_slice %arg2[%dma_start3A_32, %add3A_31, %dma_start3A_33] : memref<4x8192x1024xf32, #tpu.memory_space<hbm>> -> memref<1x256x1024xf32, #tpu.memory_space<hbm>>
    %dma_start3A_35 = tpu.memref_squeeze %dma_start3A_34 : memref<1x256x1024xf32, #tpu.memory_space<hbm>> -> memref<256x1024xf32, #tpu.memory_space<hbm>>
    tpu.enqueue_dma source(%arg3 : memref<256x1024xf32, #tpu.memory_space<vmem_shared>>) target(%dma_start3A_35 : memref<256x1024xf32, #tpu.memory_space<hbm>>) target_semaphore(%arg7 : memref<!tpu.dma_semaphore, #tpu.memory_space<semaphore_mem>>)
    %add3A_36 = arith.constant 256 : i32
    %add3A_37 = arith.addi %add3A_1, %add3A_36 : i32
    %dma_wait3A_38 = arith.constant 0 : i32
    %dma_wait3A_39 = tpu.memref_slice %arg1[%add3A_37, %dma_wait3A_38] : memref<8192x1024xf32, #tpu.memory_space<hbm>> -> memref<256x1024xf32, #tpu.memory_space<hbm>>
    tpu.wait_dma2 semaphore(%arg6 : memref<!tpu.dma_semaphore, #tpu.memory_space<semaphore_mem>>) src(%dma_wait3A_39 : memref<256x1024xf32, #tpu.memory_space<hbm>>) dst(%arg4 : memref<256x1024xf32, #tpu.memory_space<vmem_shared>>)
    %add3A_40 = arith.constant 0 : i32
    %add3A_41 = arith.addi %add3A_1, %add3A_40 : i32
    %dma_wait3A_42 = arith.constant 0 : i32
    %dma_wait3A_43 = arith.constant 0 : i32
    %dma_wait3A_44 = tpu.memref_slice %arg2[%dma_wait3A_42, %add3A_41, %dma_wait3A_43] : memref<4x8192x1024xf32, #tpu.memory_space<hbm>> -> memref<1x256x1024xf32, #tpu.memory_space<hbm>>
    %dma_wait3A_45 = tpu.memref_squeeze %dma_wait3A_44 : memref<1x256x1024xf32, #tpu.memory_space<hbm>> -> memref<256x1024xf32, #tpu.memory_space<hbm>>
    tpu.wait_dma2 semaphore(%arg7 : memref<!tpu.dma_semaphore, #tpu.memory_space<semaphore_mem>>) src(%arg3 : memref<256x1024xf32, #tpu.memory_space<vmem_shared>>) dst(%dma_wait3A_45 : memref<256x1024xf32, #tpu.memory_space<hbm>>)
    %add3A_46 = arith.constant 0 : i32
    %add3A_47 = arith.addi %add3A_1, %add3A_46 : i32
    %dma_wait3A_48 = arith.constant 1 : i32
    %dma_wait3A_49 = arith.constant 0 : i32
    %dma_wait3A_50 = tpu.memref_slice %arg2[%dma_wait3A_48, %add3A_47, %dma_wait3A_49] : memref<4x8192x1024xf32, #tpu.memory_space<hbm>> -> memref<1x256x1024xf32, #tpu.memory_space<hbm>>
    %dma_wait3A_51 = tpu.memref_squeeze %dma_wait3A_50 : memref<1x256x1024xf32, #tpu.memory_space<hbm>> -> memref<256x1024xf32, #tpu.memory_space<hbm>>
    tpu.wait_dma2 semaphore(%arg7 : memref<!tpu.dma_semaphore, #tpu.memory_space<semaphore_mem>>) src(%arg3 : memref<256x1024xf32, #tpu.memory_space<vmem_shared>>) dst(%dma_wait3A_51 : memref<256x1024xf32, #tpu.memory_space<hbm>>)
    %add3A_52 = arith.constant 0 : i32
    %add3A_53 = arith.addi %add3A_1, %add3A_52 : i32
    %dma_wait3A_54 = arith.constant 2 : i32
    %dma_wait3A_55 = arith.constant 0 : i32
    %dma_wait3A_56 = tpu.memref_slice %arg2[%dma_wait3A_54, %add3A_53, %dma_wait3A_55] : memref<4x8192x1024xf32, #tpu.memory_space<hbm>> -> memref<1x256x1024xf32, #tpu.memory_space<hbm>>
    %dma_wait3A_57 = tpu.memref_squeeze %dma_wait3A_56 : memref<1x256x1024xf32, #tpu.memory_space<hbm>> -> memref<256x1024xf32, #tpu.memory_space<hbm>>
    tpu.wait_dma2 semaphore(%arg7 : memref<!tpu.dma_semaphore, #tpu.memory_space<semaphore_mem>>) src(%arg3 : memref<256x1024xf32, #tpu.memory_space<vmem_shared>>) dst(%dma_wait3A_57 : memref<256x1024xf32, #tpu.memory_space<hbm>>)
    %add3A_58 = arith.constant 0 : i32
    %add3A_59 = arith.addi %add3A_1, %add3A_58 : i32
    %dma_wait3A_60 = arith.constant 3 : i32
    %dma_wait3A_61 = arith.constant 0 : i32
    %dma_wait3A_62 = tpu.memref_slice %arg2[%dma_wait3A_60, %add3A_59, %dma_wait3A_61] : memref<4x8192x1024xf32, #tpu.memory_space<hbm>> -> memref<1x256x1024xf32, #tpu.memory_space<hbm>>
    %dma_wait3A_63 = tpu.memref_squeeze %dma_wait3A_62 : memref<1x256x1024xf32, #tpu.memory_space<hbm>> -> memref<256x1024xf32, #tpu.memory_space<hbm>>
    tpu.wait_dma2 semaphore(%arg7 : memref<!tpu.dma_semaphore, #tpu.memory_space<semaphore_mem>>) src(%arg3 : memref<256x1024xf32, #tpu.memory_space<vmem_shared>>) dst(%dma_wait3A_63 : memref<256x1024xf32, #tpu.memory_space<hbm>>)
    %add3A_64 = arith.constant 512 : i32
    %add3A_65 = arith.addi %add3A_1, %add3A_64 : i32
    %dma_start3A_66 = arith.constant 0 : i32
    %dma_start3A_67 = tpu.memref_slice %arg1[%add3A_65, %dma_start3A_66] : memref<8192x1024xf32, #tpu.memory_space<hbm>> -> memref<256x1024xf32, #tpu.memory_space<hbm>>
    tpu.enqueue_dma source(%dma_start3A_67 : memref<256x1024xf32, #tpu.memory_space<hbm>>) target(%arg3 : memref<256x1024xf32, #tpu.memory_space<vmem_shared>>) target_semaphore(%arg5 : memref<!tpu.dma_semaphore, #tpu.memory_space<semaphore_mem>>)
    %add3A_68 = arith.constant 256 : i32
    %add3A_69 = arith.addi %add3A_1, %add3A_68 : i32
    %dma_start3A_70 = arith.constant 0 : i32
    %dma_start3A_71 = arith.constant 0 : i32
    %dma_start3A_72 = tpu.memref_slice %arg2[%dma_start3A_70, %add3A_69, %dma_start3A_71] : memref<4x8192x1024xf32, #tpu.memory_space<hbm>> -> memref<1x256x1024xf32, #tpu.memory_space<hbm>>
    %dma_start3A_73 = tpu.memref_squeeze %dma_start3A_72 : memref<1x256x1024xf32, #tpu.memory_space<hbm>> -> memref<256x1024xf32, #tpu.memory_space<hbm>>
    tpu.enqueue_dma source(%arg4 : memref<256x1024xf32, #tpu.memory_space<vmem_shared>>) target(%dma_start3A_73 : memref<256x1024xf32, #tpu.memory_space<hbm>>) target_semaphore(%arg8 : memref<!tpu.dma_semaphore, #tpu.memory_space<semaphore_mem>>)
    %add3A_74 = arith.constant 256 : i32
    %add3A_75 = arith.addi %add3A_1, %add3A_74 : i32
    %dma_start3A_76 = arith.constant 1 : i32
    %dma_start3A_77 = arith.constant 0 : i32
    %dma_start3A_78 = tpu.memref_slice %arg2[%dma_start3A_76, %add3A_75, %dma_start3A_77] : memref<4x8192x1024xf32, #tpu.memory_space<hbm>> -> memref<1x256x1024xf32, #tpu.memory_space<hbm>>
    %dma_start3A_79 = tpu.memref_squeeze %dma_start3A_78 : memref<1x256x1024xf32, #tpu.memory_space<hbm>> -> memref<256x1024xf32, #tpu.memory_space<hbm>>
    tpu.enqueue_dma source(%arg4 : memref<256x1024xf32, #tpu.memory_space<vmem_shared>>) target(%dma_start3A_79 : memref<256x1024xf32, #tpu.memory_space<hbm>>) target_semaphore(%arg8 : memref<!tpu.dma_semaphore, #tpu.memory_space<semaphore_mem>>)
    %add3A_80 = arith.constant 256 : i32
    %add3A_81 = arith.addi %add3A_1, %add3A_80 : i32
    %dma_start3A_82 = arith.constant 2 : i32
    %dma_start3A_83 = arith.constant 0 : i32
    %dma_start3A_84 = tpu.memref_slice %arg2[%dma_start3A_82, %add3A_81, %dma_start3A_83] : memref<4x8192x1024xf32, #tpu.memory_space<hbm>> -> memref<1x256x1024xf32, #tpu.memory_space<hbm>>
    %dma_start3A_85 = tpu.memref_squeeze %dma_start3A_84 : memref<1x256x1024xf32, #tpu.memory_space<hbm>> -> memref<256x1024xf32, #tpu.memory_space<hbm>>
    tpu.enqueue_dma source(%arg4 : memref<256x1024xf32, #tpu.memory_space<vmem_shared>>) target(%dma_start3A_85 : memref<256x1024xf32, #tpu.memory_space<hbm>>) target_semaphore(%arg8 : memref<!tpu.dma_semaphore, #tpu.memory_space<semaphore_mem>>)
    %add3A_86 = arith.constant 256 : i32
    %add3A_87 = arith.addi %add3A_1, %add3A_86 : i32
    %dma_start3A_88 = arith.constant 3 : i32
    %dma_start3A_89 = arith.constant 0 : i32
    %dma_start3A_90 = tpu.memref_slice %arg2[%dma_start3A_88, %add3A_87, %dma_start3A_89] : memref<4x8192x1024xf32, #tpu.memory_space<hbm>> -> memref<1x256x1024xf32, #tpu.memory_space<hbm>>
    %dma_start3A_91 = tpu.memref_squeeze %dma_start3A_90 : memref<1x256x1024xf32, #tpu.memory_space<hbm>> -> memref<256x1024xf32, #tpu.memory_space<hbm>>
    tpu.enqueue_dma source(%arg4 : memref<256x1024xf32, #tpu.memory_space<vmem_shared>>) target(%dma_start3A_91 : memref<256x1024xf32, #tpu.memory_space<hbm>>) target_semaphore(%arg8 : memref<!tpu.dma_semaphore, #tpu.memory_space<semaphore_mem>>)
    %add3A_92 = arith.constant 512 : i32
    %add3A_93 = arith.addi %add3A_1, %add3A_92 : i32
    %dma_wait3A_94 = arith.constant 0 : i32
    %dma_wait3A_95 = tpu.memref_slice %arg1[%add3A_93, %dma_wait3A_94] : memref<8192x1024xf32, #tpu.memory_space<hbm>> -> memref<256x1024xf32, #tpu.memory_space<hbm>>
    tpu.wait_dma2 semaphore(%arg5 : memref<!tpu.dma_semaphore, #tpu.memory_space<semaphore_mem>>) src(%dma_wait3A_95 : memref<256x1024xf32, #tpu.memory_space<hbm>>) dst(%arg3 : memref<256x1024xf32, #tpu.memory_space<vmem_shared>>)
    %add3A_96 = arith.constant 256 : i32
    %add3A_97 = arith.addi %add3A_1, %add3A_96 : i32
    %dma_wait3A_98 = arith.constant 0 : i32
    %dma_wait3A_99 = arith.constant 0 : i32
    %dma_wait3A_100 = tpu.memref_slice %arg2[%dma_wait3A_98, %add3A_97, %dma_wait3A_99] : memref<4x8192x1024xf32, #tpu.memory_space<hbm>> -> memref<1x256x1024xf32, #tpu.memory_space<hbm>>
    %dma_wait3A_101 = tpu.memref_squeeze %dma_wait3A_100 : memref<1x256x1024xf32, #tpu.memory_space<hbm>> -> memref<256x1024xf32, #tpu.memory_space<hbm>>
    tpu.wait_dma2 semaphore(%arg8 : memref<!tpu.dma_semaphore, #tpu.memory_space<semaphore_mem>>) src(%arg4 : memref<256x1024xf32, #tpu.memory_space<vmem_shared>>) dst(%dma_wait3A_101 : memref<256x1024xf32, #tpu.memory_space<hbm>>)
    %add3A_102 = arith.constant 256 : i32
    %add3A_103 = arith.addi %add3A_1, %add3A_102 : i32
    %dma_wait3A_104 = arith.constant 1 : i32
    %dma_wait3A_105 = arith.constant 0 : i32
    %dma_wait3A_106 = tpu.memref_slice %arg2[%dma_wait3A_104, %add3A_103, %dma_wait3A_105] : memref<4x8192x1024xf32, #tpu.memory_space<hbm>> -> memref<1x256x1024xf32, #tpu.memory_space<hbm>>
    %dma_wait3A_107 = tpu.memref_squeeze %dma_wait3A_106 : memref<1x256x1024xf32, #tpu.memory_space<hbm>> -> memref<256x1024xf32, #tpu.memory_space<hbm>>
    tpu.wait_dma2 semaphore(%arg8 : memref<!tpu.dma_semaphore, #tpu.memory_space<semaphore_mem>>) src(%arg4 : memref<256x1024xf32, #tpu.memory_space<vmem_shared>>) dst(%dma_wait3A_107 : memref<256x1024xf32, #tpu.memory_space<hbm>>)
    %add3A_108 = arith.constant 256 : i32
    %add3A_109 = arith.addi %add3A_1, %add3A_108 : i32
    %dma_wait3A_110 = arith.constant 2 : i32
    %dma_wait3A_111 = arith.constant 0 : i32
    %dma_wait3A_112 = tpu.memref_slice %arg2[%dma_wait3A_110, %add3A_109, %dma_wait3A_111] : memref<4x8192x1024xf32, #tpu.memory_space<hbm>> -> memref<1x256x1024xf32, #tpu.memory_space<hbm>>
    %dma_wait3A_113 = tpu.memref_squeeze %dma_wait3A_112 : memref<1x256x1024xf32, #tpu.memory_space<hbm>> -> memref<256x1024xf32, #tpu.memory_space<hbm>>
    tpu.wait_dma2 semaphore(%arg8 : memref<!tpu.dma_semaphore, #tpu.memory_space<semaphore_mem>>) src(%arg4 : memref<256x1024xf32, #tpu.memory_space<vmem_shared>>) dst(%dma_wait3A_113 : memref<256x1024xf32, #tpu.memory_space<hbm>>)
    %add3A_114 = arith.constant 256 : i32
    %add3A_115 = arith.addi %add3A_1, %add3A_114 : i32
    %dma_wait3A_116 = arith.constant 3 : i32
    %dma_wait3A_117 = arith.constant 0 : i32
    %dma_wait3A_118 = tpu.memref_slice %arg2[%dma_wait3A_116, %add3A_115, %dma_wait3A_117] : memref<4x8192x1024xf32, #tpu.memory_space<hbm>> -> memref<1x256x1024xf32, #tpu.memory_space<hbm>>
    %dma_wait3A_119 = tpu.memref_squeeze %dma_wait3A_118 : memref<1x256x1024xf32, #tpu.memory_space<hbm>> -> memref<256x1024xf32, #tpu.memory_space<hbm>>
    tpu.wait_dma2 semaphore(%arg8 : memref<!tpu.dma_semaphore, #tpu.memory_space<semaphore_mem>>) src(%arg4 : memref<256x1024xf32, #tpu.memory_space<vmem_shared>>) dst(%dma_wait3A_119 : memref<256x1024xf32, #tpu.memory_space<hbm>>)
    %add3A_120 = arith.constant 768 : i32
    %add3A_121 = arith.addi %add3A_1, %add3A_120 : i32
    %dma_start3A_122 = arith.constant 0 : i32
    %dma_start3A_123 = tpu.memref_slice %arg1[%add3A_121, %dma_start3A_122] : memref<8192x1024xf32, #tpu.memory_space<hbm>> -> memref<256x1024xf32, #tpu.memory_space<hbm>>
    tpu.enqueue_dma source(%dma_start3A_123 : memref<256x1024xf32, #tpu.memory_space<hbm>>) target(%arg4 : memref<256x1024xf32, #tpu.memory_space<vmem_shared>>) target_semaphore(%arg6 : memref<!tpu.dma_semaphore, #tpu.memory_space<semaphore_mem>>)
    %add3A_124 = arith.constant 512 : i32
    %add3A_125 = arith.addi %add3A_1, %add3A_124 : i32
    %dma_start3A_126 = arith.constant 0 : i32
    %dma_start3A_127 = arith.constant 0 : i32
    %dma_start3A_128 = tpu.memref_slice %arg2[%dma_start3A_126, %add3A_125, %dma_start3A_127] : memref<4x8192x1024xf32, #tpu.memory_space<hbm>> -> memref<1x256x1024xf32, #tpu.memory_space<hbm>>
    %dma_start3A_129 = tpu.memref_squeeze %dma_start3A_128 : memref<1x256x1024xf32, #tpu.memory_space<hbm>> -> memref<256x1024xf32, #tpu.memory_space<hbm>>
    tpu.enqueue_dma source(%arg3 : memref<256x1024xf32, #tpu.memory_space<vmem_shared>>) target(%dma_start3A_129 : memref<256x1024xf32, #tpu.memory_space<hbm>>) target_semaphore(%arg7 : memref<!tpu.dma_semaphore, #tpu.memory_space<semaphore_mem>>)
    %add3A_130 = arith.constant 512 : i32
    %add3A_131 = arith.addi %add3A_1, %add3A_130 : i32
    %dma_start3A_132 = arith.constant 1 : i32
    %dma_start3A_133 = arith.constant 0 : i32
    %dma_start3A_134 = tpu.memref_slice %arg2[%dma_start3A_132, %add3A_131, %dma_start3A_133] : memref<4x8192x1024xf32, #tpu.memory_space<hbm>> -> memref<1x256x1024xf32, #tpu.memory_space<hbm>>
    %dma_start3A_135 = tpu.memref_squeeze %dma_start3A_134 : memref<1x256x1024xf32, #tpu.memory_space<hbm>> -> memref<256x1024xf32, #tpu.memory_space<hbm>>
    tpu.enqueue_dma source(%arg3 : memref<256x1024xf32, #tpu.memory_space<vmem_shared>>) target(%dma_start3A_135 : memref<256x1024xf32, #tpu.memory_space<hbm>>) target_semaphore(%arg7 : memref<!tpu.dma_semaphore, #tpu.memory_space<semaphore_mem>>)
    %add3A_136 = arith.constant 512 : i32
    %add3A_137 = arith.addi %add3A_1, %add3A_136 : i32
    %dma_start3A_138 = arith.constant 2 : i32
    %dma_start3A_139 = arith.constant 0 : i32
    %dma_start3A_140 = tpu.memref_slice %arg2[%dma_start3A_138, %add3A_137, %dma_start3A_139] : memref<4x8192x1024xf32, #tpu.memory_space<hbm>> -> memref<1x256x1024xf32, #tpu.memory_space<hbm>>
    %dma_start3A_141 = tpu.memref_squeeze %dma_start3A_140 : memref<1x256x1024xf32, #tpu.memory_space<hbm>> -> memref<256x1024xf32, #tpu.memory_space<hbm>>
    tpu.enqueue_dma source(%arg3 : memref<256x1024xf32, #tpu.memory_space<vmem_shared>>) target(%dma_start3A_141 : memref<256x1024xf32, #tpu.memory_space<hbm>>) target_semaphore(%arg7 : memref<!tpu.dma_semaphore, #tpu.memory_space<semaphore_mem>>)
    %add3A_142 = arith.constant 512 : i32
    %add3A_143 = arith.addi %add3A_1, %add3A_142 : i32
    %dma_start3A_144 = arith.constant 3 : i32
    %dma_start3A_145 = arith.constant 0 : i32
    %dma_start3A_146 = tpu.memref_slice %arg2[%dma_start3A_144, %add3A_143, %dma_start3A_145] : memref<4x8192x1024xf32, #tpu.memory_space<hbm>> -> memref<1x256x1024xf32, #tpu.memory_space<hbm>>
    %dma_start3A_147 = tpu.memref_squeeze %dma_start3A_146 : memref<1x256x1024xf32, #tpu.memory_space<hbm>> -> memref<256x1024xf32, #tpu.memory_space<hbm>>
    tpu.enqueue_dma source(%arg3 : memref<256x1024xf32, #tpu.memory_space<vmem_shared>>) target(%dma_start3A_147 : memref<256x1024xf32, #tpu.memory_space<hbm>>) target_semaphore(%arg7 : memref<!tpu.dma_semaphore, #tpu.memory_space<semaphore_mem>>)
    %add3A_148 = arith.constant 768 : i32
    %add3A_149 = arith.addi %add3A_1, %add3A_148 : i32
    %dma_wait3A_150 = arith.constant 0 : i32
    %dma_wait3A_151 = tpu.memref_slice %arg1[%add3A_149, %dma_wait3A_150] : memref<8192x1024xf32, #tpu.memory_space<hbm>> -> memref<256x1024xf32, #tpu.memory_space<hbm>>
    tpu.wait_dma2 semaphore(%arg6 : memref<!tpu.dma_semaphore, #tpu.memory_space<semaphore_mem>>) src(%dma_wait3A_151 : memref<256x1024xf32, #tpu.memory_space<hbm>>) dst(%arg4 : memref<256x1024xf32, #tpu.memory_space<vmem_shared>>)
    %add3A_152 = arith.constant 512 : i32
    %add3A_153 = arith.addi %add3A_1, %add3A_152 : i32
    %dma_wait3A_154 = arith.constant 0 : i32
    %dma_wait3A_155 = arith.constant 0 : i32
    %dma_wait3A_156 = tpu.memref_slice %arg2[%dma_wait3A_154, %add3A_153, %dma_wait3A_155] : memref<4x8192x1024xf32, #tpu.memory_space<hbm>> -> memref<1x256x1024xf32, #tpu.memory_space<hbm>>
    %dma_wait3A_157 = tpu.memref_squeeze %dma_wait3A_156 : memref<1x256x1024xf32, #tpu.memory_space<hbm>> -> memref<256x1024xf32, #tpu.memory_space<hbm>>
    tpu.wait_dma2 semaphore(%arg7 : memref<!tpu.dma_semaphore, #tpu.memory_space<semaphore_mem>>) src(%arg3 : memref<256x1024xf32, #tpu.memory_space<vmem_shared>>) dst(%dma_wait3A_157 : memref<256x1024xf32, #tpu.memory_space<hbm>>)
    %add3A_158 = arith.constant 512 : i32
    %add3A_159 = arith.addi %add3A_1, %add3A_158 : i32
    %dma_wait3A_160 = arith.constant 1 : i32
    %dma_wait3A_161 = arith.constant 0 : i32
    %dma_wait3A_162 = tpu.memref_slice %arg2[%dma_wait3A_160, %add3A_159, %dma_wait3A_161] : memref<4x8192x1024xf32, #tpu.memory_space<hbm>> -> memref<1x256x1024xf32, #tpu.memory_space<hbm>>
    %dma_wait3A_163 = tpu.memref_squeeze %dma_wait3A_162 : memref<1x256x1024xf32, #tpu.memory_space<hbm>> -> memref<256x1024xf32, #tpu.memory_space<hbm>>
    tpu.wait_dma2 semaphore(%arg7 : memref<!tpu.dma_semaphore, #tpu.memory_space<semaphore_mem>>) src(%arg3 : memref<256x1024xf32, #tpu.memory_space<vmem_shared>>) dst(%dma_wait3A_163 : memref<256x1024xf32, #tpu.memory_space<hbm>>)
    %add3A_164 = arith.constant 512 : i32
    %add3A_165 = arith.addi %add3A_1, %add3A_164 : i32
    %dma_wait3A_166 = arith.constant 2 : i32
    %dma_wait3A_167 = arith.constant 0 : i32
    %dma_wait3A_168 = tpu.memref_slice %arg2[%dma_wait3A_166, %add3A_165, %dma_wait3A_167] : memref<4x8192x1024xf32, #tpu.memory_space<hbm>> -> memref<1x256x1024xf32, #tpu.memory_space<hbm>>
    %dma_wait3A_169 = tpu.memref_squeeze %dma_wait3A_168 : memref<1x256x1024xf32, #tpu.memory_space<hbm>> -> memref<256x1024xf32, #tpu.memory_space<hbm>>
    tpu.wait_dma2 semaphore(%arg7 : memref<!tpu.dma_semaphore, #tpu.memory_space<semaphore_mem>>) src(%arg3 : memref<256x1024xf32, #tpu.memory_space<vmem_shared>>) dst(%dma_wait3A_169 : memref<256x1024xf32, #tpu.memory_space<hbm>>)
    %add3A_170 = arith.constant 512 : i32
    %add3A_171 = arith.addi %add3A_1, %add3A_170 : i32
    %dma_wait3A_172 = arith.constant 3 : i32
    %dma_wait3A_173 = arith.constant 0 : i32
    %dma_wait3A_174 = tpu.memref_slice %arg2[%dma_wait3A_172, %add3A_171, %dma_wait3A_173] : memref<4x8192x1024xf32, #tpu.memory_space<hbm>> -> memref<1x256x1024xf32, #tpu.memory_space<hbm>>
    %dma_wait3A_175 = tpu.memref_squeeze %dma_wait3A_174 : memref<1x256x1024xf32, #tpu.memory_space<hbm>> -> memref<256x1024xf32, #tpu.memory_space<hbm>>
    tpu.wait_dma2 semaphore(%arg7 : memref<!tpu.dma_semaphore, #tpu.memory_space<semaphore_mem>>) src(%arg3 : memref<256x1024xf32, #tpu.memory_space<vmem_shared>>) dst(%dma_wait3A_175 : memref<256x1024xf32, #tpu.memory_space<hbm>>)
    %add3A_176 = arith.constant 1024 : i32
    %add3A_177 = arith.addi %add3A_1, %add3A_176 : i32
    %dma_start3A_178 = arith.constant 0 : i32
    %dma_start3A_179 = tpu.memref_slice %arg1[%add3A_177, %dma_start3A_178] : memref<8192x1024xf32, #tpu.memory_space<hbm>> -> memref<256x1024xf32, #tpu.memory_space<hbm>>
    tpu.enqueue_dma source(%dma_start3A_179 : memref<256x1024xf32, #tpu.memory_space<hbm>>) target(%arg3 : memref<256x1024xf32, #tpu.memory_space<vmem_shared>>) target_semaphore(%arg5 : memref<!tpu.dma_semaphore, #tpu.memory_space<semaphore_mem>>)
    %add3A_180 = arith.constant 768 : i32
    %add3A_181 = arith.addi %add3A_1, %add3A_180 : i32
    %dma_start3A_182 = arith.constant 0 : i32
    %dma_start3A_183 = arith.constant 0 : i32
    %dma_start3A_184 = tpu.memref_slice %arg2[%dma_start3A_182, %add3A_181, %dma_start3A_183] : memref<4x8192x1024xf32, #tpu.memory_space<hbm>> -> memref<1x256x1024xf32, #tpu.memory_space<hbm>>
    %dma_start3A_185 = tpu.memref_squeeze %dma_start3A_184 : memref<1x256x1024xf32, #tpu.memory_space<hbm>> -> memref<256x1024xf32, #tpu.memory_space<hbm>>
    tpu.enqueue_dma source(%arg4 : memref<256x1024xf32, #tpu.memory_space<vmem_shared>>) target(%dma_start3A_185 : memref<256x1024xf32, #tpu.memory_space<hbm>>) target_semaphore(%arg8 : memref<!tpu.dma_semaphore, #tpu.memory_space<semaphore_mem>>)
    %add3A_186 = arith.constant 768 : i32
    %add3A_187 = arith.addi %add3A_1, %add3A_186 : i32
    %dma_start3A_188 = arith.constant 1 : i32
    %dma_start3A_189 = arith.constant 0 : i32
    %dma_start3A_190 = tpu.memref_slice %arg2[%dma_start3A_188, %add3A_187, %dma_start3A_189] : memref<4x8192x1024xf32, #tpu.memory_space<hbm>> -> memref<1x256x1024xf32, #tpu.memory_space<hbm>>
    %dma_start3A_191 = tpu.memref_squeeze %dma_start3A_190 : memref<1x256x1024xf32, #tpu.memory_space<hbm>> -> memref<256x1024xf32, #tpu.memory_space<hbm>>
    tpu.enqueue_dma source(%arg4 : memref<256x1024xf32, #tpu.memory_space<vmem_shared>>) target(%dma_start3A_191 : memref<256x1024xf32, #tpu.memory_space<hbm>>) target_semaphore(%arg8 : memref<!tpu.dma_semaphore, #tpu.memory_space<semaphore_mem>>)
    %add3A_192 = arith.constant 768 : i32
    %add3A_193 = arith.addi %add3A_1, %add3A_192 : i32
    %dma_start3A_194 = arith.constant 2 : i32
    %dma_start3A_195 = arith.constant 0 : i32
    %dma_start3A_196 = tpu.memref_slice %arg2[%dma_start3A_194, %add3A_193, %dma_start3A_195] : memref<4x8192x1024xf32, #tpu.memory_space<hbm>> -> memref<1x256x1024xf32, #tpu.memory_space<hbm>>
    %dma_start3A_197 = tpu.memref_squeeze %dma_start3A_196 : memref<1x256x1024xf32, #tpu.memory_space<hbm>> -> memref<256x1024xf32, #tpu.memory_space<hbm>>
    tpu.enqueue_dma source(%arg4 : memref<256x1024xf32, #tpu.memory_space<vmem_shared>>) target(%dma_start3A_197 : memref<256x1024xf32, #tpu.memory_space<hbm>>) target_semaphore(%arg8 : memref<!tpu.dma_semaphore, #tpu.memory_space<semaphore_mem>>)
    %add3A_198 = arith.constant 768 : i32
    %add3A_199 = arith.addi %add3A_1, %add3A_198 : i32
    %dma_start3A_200 = arith.constant 3 : i32
    %dma_start3A_201 = arith.constant 0 : i32
    %dma_start3A_202 = tpu.memref_slice %arg2[%dma_start3A_200, %add3A_199, %dma_start3A_201] : memref<4x8192x1024xf32, #tpu.memory_space<hbm>> -> memref<1x256x1024xf32, #tpu.memory_space<hbm>>
    %dma_start3A_203 = tpu.memref_squeeze %dma_start3A_202 : memref<1x256x1024xf32, #tpu.memory_space<hbm>> -> memref<256x1024xf32, #tpu.memory_space<hbm>>
    tpu.enqueue_dma source(%arg4 : memref<256x1024xf32, #tpu.memory_space<vmem_shared>>) target(%dma_start3A_203 : memref<256x1024xf32, #tpu.memory_space<hbm>>) target_semaphore(%arg8 : memref<!tpu.dma_semaphore, #tpu.memory_space<semaphore_mem>>)
    %add3A_204 = arith.constant 1024 : i32
    %add3A_205 = arith.addi %add3A_1, %add3A_204 : i32
    %dma_wait3A_206 = arith.constant 0 : i32
    %dma_wait3A_207 = tpu.memref_slice %arg1[%add3A_205, %dma_wait3A_206] : memref<8192x1024xf32, #tpu.memory_space<hbm>> -> memref<256x1024xf32, #tpu.memory_space<hbm>>
    tpu.wait_dma2 semaphore(%arg5 : memref<!tpu.dma_semaphore, #tpu.memory_space<semaphore_mem>>) src(%dma_wait3A_207 : memref<256x1024xf32, #tpu.memory_space<hbm>>) dst(%arg3 : memref<256x1024xf32, #tpu.memory_space<vmem_shared>>)
    %add3A_208 = arith.constant 768 : i32
    %add3A_209 = arith.addi %add3A_1, %add3A_208 : i32
    %dma_wait3A_210 = arith.constant 0 : i32
    %dma_wait3A_211 = arith.constant 0 : i32
    %dma_wait3A_212 = tpu.memref_slice %arg2[%dma_wait3A_210, %add3A_209, %dma_wait3A_211] : memref<4x8192x1024xf32, #tpu.memory_space<hbm>> -> memref<1x256x1024xf32, #tpu.memory_space<hbm>>
    %dma_wait3A_213 = tpu.memref_squeeze %dma_wait3A_212 : memref<1x256x1024xf32, #tpu.memory_space<hbm>> -> memref<256x1024xf32, #tpu.memory_space<hbm>>
    tpu.wait_dma2 semaphore(%arg8 : memref<!tpu.dma_semaphore, #tpu.memory_space<semaphore_mem>>) src(%arg4 : memref<256x1024xf32, #tpu.memory_space<vmem_shared>>) dst(%dma_wait3A_213 : memref<256x1024xf32, #tpu.memory_space<hbm>>)
    %add3A_214 = arith.constant 768 : i32
    %add3A_215 = arith.addi %add3A_1, %add3A_214 : i32
    %dma_wait3A_216 = arith.constant 1 : i32
    %dma_wait3A_217 = arith.constant 0 : i32
    %dma_wait3A_218 = tpu.memref_slice %arg2[%dma_wait3A_216, %add3A_215, %dma_wait3A_217] : memref<4x8192x1024xf32, #tpu.memory_space<hbm>> -> memref<1x256x1024xf32, #tpu.memory_space<hbm>>
    %dma_wait3A_219 = tpu.memref_squeeze %dma_wait3A_218 : memref<1x256x1024xf32, #tpu.memory_space<hbm>> -> memref<256x1024xf32, #tpu.memory_space<hbm>>
    tpu.wait_dma2 semaphore(%arg8 : memref<!tpu.dma_semaphore, #tpu.memory_space<semaphore_mem>>) src(%arg4 : memref<256x1024xf32, #tpu.memory_space<vmem_shared>>) dst(%dma_wait3A_219 : memref<256x1024xf32, #tpu.memory_space<hbm>>)
    %add3A_220 = arith.constant 768 : i32
    %add3A_221 = arith.addi %add3A_1, %add3A_220 : i32
    %dma_wait3A_222 = arith.constant 2 : i32
    %dma_wait3A_223 = arith.constant 0 : i32
    %dma_wait3A_224 = tpu.memref_slice %arg2[%dma_wait3A_222, %add3A_221, %dma_wait3A_223] : memref<4x8192x1024xf32, #tpu.memory_space<hbm>> -> memref<1x256x1024xf32, #tpu.memory_space<hbm>>
    %dma_wait3A_225 = tpu.memref_squeeze %dma_wait3A_224 : memref<1x256x1024xf32, #tpu.memory_space<hbm>> -> memref<256x1024xf32, #tpu.memory_space<hbm>>
    tpu.wait_dma2 semaphore(%arg8 : memref<!tpu.dma_semaphore, #tpu.memory_space<semaphore_mem>>) src(%arg4 : memref<256x1024xf32, #tpu.memory_space<vmem_shared>>) dst(%dma_wait3A_225 : memref<256x1024xf32, #tpu.memory_space<hbm>>)
    %add3A_226 = arith.constant 768 : i32
    %add3A_227 = arith.addi %add3A_1, %add3A_226 : i32
    %dma_wait3A_228 = arith.constant 3 : i32
    %dma_wait3A_229 = arith.constant 0 : i32
    %dma_wait3A_230 = tpu.memref_slice %arg2[%dma_wait3A_228, %add3A_227, %dma_wait3A_229] : memref<4x8192x1024xf32, #tpu.memory_space<hbm>> -> memref<1x256x1024xf32, #tpu.memory_space<hbm>>
    %dma_wait3A_231 = tpu.memref_squeeze %dma_wait3A_230 : memref<1x256x1024xf32, #tpu.memory_space<hbm>> -> memref<256x1024xf32, #tpu.memory_space<hbm>>
    tpu.wait_dma2 semaphore(%arg8 : memref<!tpu.dma_semaphore, #tpu.memory_space<semaphore_mem>>) src(%arg4 : memref<256x1024xf32, #tpu.memory_space<vmem_shared>>) dst(%dma_wait3A_231 : memref<256x1024xf32, #tpu.memory_space<hbm>>)
    %add3A_232 = arith.constant 1280 : i32
    %add3A_233 = arith.addi %add3A_1, %add3A_232 : i32
    %dma_start3A_234 = arith.constant 0 : i32
    %dma_start3A_235 = tpu.memref_slice %arg1[%add3A_233, %dma_start3A_234] : memref<8192x1024xf32, #tpu.memory_space<hbm>> -> memref<256x1024xf32, #tpu.memory_space<hbm>>
    tpu.enqueue_dma source(%dma_start3A_235 : memref<256x1024xf32, #tpu.memory_space<hbm>>) target(%arg4 : memref<256x1024xf32, #tpu.memory_space<vmem_shared>>) target_semaphore(%arg6 : memref<!tpu.dma_semaphore, #tpu.memory_space<semaphore_mem>>)
    %add3A_236 = arith.constant 1024 : i32
    %add3A_237 = arith.addi %add3A_1, %add3A_236 : i32
    %dma_start3A_238 = arith.constant 0 : i32
    %dma_start3A_239 = arith.constant 0 : i32
    %dma_start3A_240 = tpu.memref_slice %arg2[%dma_start3A_238, %add3A_237, %dma_start3A_239] : memref<4x8192x1024xf32, #tpu.memory_space<hbm>> -> memref<1x256x1024xf32, #tpu.memory_space<hbm>>
    %dma_start3A_241 = tpu.memref_squeeze %dma_start3A_240 : memref<1x256x1024xf32, #tpu.memory_space<hbm>> -> memref<256x1024xf32, #tpu.memory_space<hbm>>
    tpu.enqueue_dma source(%arg3 : memref<256x1024xf32, #tpu.memory_space<vmem_shared>>) target(%dma_start3A_241 : memref<256x1024xf32, #tpu.memory_space<hbm>>) target_semaphore(%arg7 : memref<!tpu.dma_semaphore, #tpu.memory_space<semaphore_mem>>)
    %add3A_242 = arith.constant 1024 : i32
    %add3A_243 = arith.addi %add3A_1, %add3A_242 : i32
    %dma_start3A_244 = arith.constant 1 : i32
    %dma_start3A_245 = arith.constant 0 : i32
    %dma_start3A_246 = tpu.memref_slice %arg2[%dma_start3A_244, %add3A_243, %dma_start3A_245] : memref<4x8192x1024xf32, #tpu.memory_space<hbm>> -> memref<1x256x1024xf32, #tpu.memory_space<hbm>>
    %dma_start3A_247 = tpu.memref_squeeze %dma_start3A_246 : memref<1x256x1024xf32, #tpu.memory_space<hbm>> -> memref<256x1024xf32, #tpu.memory_space<hbm>>
    tpu.enqueue_dma source(%arg3 : memref<256x1024xf32, #tpu.memory_space<vmem_shared>>) target(%dma_start3A_247 : memref<256x1024xf32, #tpu.memory_space<hbm>>) target_semaphore(%arg7 : memref<!tpu.dma_semaphore, #tpu.memory_space<semaphore_mem>>)
    %add3A_248 = arith.constant 1024 : i32
    %add3A_249 = arith.addi %add3A_1, %add3A_248 : i32
    %dma_start3A_250 = arith.constant 2 : i32
    %dma_start3A_251 = arith.constant 0 : i32
    %dma_start3A_252 = tpu.memref_slice %arg2[%dma_start3A_250, %add3A_249, %dma_start3A_251] : memref<4x8192x1024xf32, #tpu.memory_space<hbm>> -> memref<1x256x1024xf32, #tpu.memory_space<hbm>>
    %dma_start3A_253 = tpu.memref_squeeze %dma_start3A_252 : memref<1x256x1024xf32, #tpu.memory_space<hbm>> -> memref<256x1024xf32, #tpu.memory_space<hbm>>
    tpu.enqueue_dma source(%arg3 : memref<256x1024xf32, #tpu.memory_space<vmem_shared>>) target(%dma_start3A_253 : memref<256x1024xf32, #tpu.memory_space<hbm>>) target_semaphore(%arg7 : memref<!tpu.dma_semaphore, #tpu.memory_space<semaphore_mem>>)
    %add3A_254 = arith.constant 1024 : i32
    %add3A_255 = arith.addi %add3A_1, %add3A_254 : i32
    %dma_start3A_256 = arith.constant 3 : i32
    %dma_start3A_257 = arith.constant 0 : i32
    %dma_start3A_258 = tpu.memref_slice %arg2[%dma_start3A_256, %add3A_255, %dma_start3A_257] : memref<4x8192x1024xf32, #tpu.memory_space<hbm>> -> memref<1x256x1024xf32, #tpu.memory_space<hbm>>
    %dma_start3A_259 = tpu.memref_squeeze %dma_start3A_258 : memref<1x256x1024xf32, #tpu.memory_space<hbm>> -> memref<256x1024xf32, #tpu.memory_space<hbm>>
    tpu.enqueue_dma source(%arg3 : memref<256x1024xf32, #tpu.memory_space<vmem_shared>>) target(%dma_start3A_259 : memref<256x1024xf32, #tpu.memory_space<hbm>>) target_semaphore(%arg7 : memref<!tpu.dma_semaphore, #tpu.memory_space<semaphore_mem>>)
    %add3A_260 = arith.constant 1280 : i32
    %add3A_261 = arith.addi %add3A_1, %add3A_260 : i32
    %dma_wait3A_262 = arith.constant 0 : i32
    %dma_wait3A_263 = tpu.memref_slice %arg1[%add3A_261, %dma_wait3A_262] : memref<8192x1024xf32, #tpu.memory_space<hbm>> -> memref<256x1024xf32, #tpu.memory_space<hbm>>
    tpu.wait_dma2 semaphore(%arg6 : memref<!tpu.dma_semaphore, #tpu.memory_space<semaphore_mem>>) src(%dma_wait3A_263 : memref<256x1024xf32, #tpu.memory_space<hbm>>) dst(%arg4 : memref<256x1024xf32, #tpu.memory_space<vmem_shared>>)
    %add3A_264 = arith.constant 1024 : i32
    %add3A_265 = arith.addi %add3A_1, %add3A_264 : i32
    %dma_wait3A_266 = arith.constant 0 : i32
    %dma_wait3A_267 = arith.constant 0 : i32
    %dma_wait3A_268 = tpu.memref_slice %arg2[%dma_wait3A_266, %add3A_265, %dma_wait3A_267] : memref<4x8192x1024xf32, #tpu.memory_space<hbm>> -> memref<1x256x1024xf32, #tpu.memory_space<hbm>>
    %dma_wait3A_269 = tpu.memref_squeeze %dma_wait3A_268 : memref<1x256x1024xf32, #tpu.memory_space<hbm>> -> memref<256x1024xf32, #tpu.memory_space<hbm>>
    tpu.wait_dma2 semaphore(%arg7 : memref<!tpu.dma_semaphore, #tpu.memory_space<semaphore_mem>>) src(%arg3 : memref<256x1024xf32, #tpu.memory_space<vmem_shared>>) dst(%dma_wait3A_269 : memref<256x1024xf32, #tpu.memory_space<hbm>>)
    %add3A_270 = arith.constant 1024 : i32
    %add3A_271 = arith.addi %add3A_1, %add3A_270 : i32
    %dma_wait3A_272 = arith.constant 1 : i32
    %dma_wait3A_273 = arith.constant 0 : i32
    %dma_wait3A_274 = tpu.memref_slice %arg2[%dma_wait3A_272, %add3A_271, %dma_wait3A_273] : memref<4x8192x1024xf32, #tpu.memory_space<hbm>> -> memref<1x256x1024xf32, #tpu.memory_space<hbm>>
    %dma_wait3A_275 = tpu.memref_squeeze %dma_wait3A_274 : memref<1x256x1024xf32, #tpu.memory_space<hbm>> -> memref<256x1024xf32, #tpu.memory_space<hbm>>
    tpu.wait_dma2 semaphore(%arg7 : memref<!tpu.dma_semaphore, #tpu.memory_space<semaphore_mem>>) src(%arg3 : memref<256x1024xf32, #tpu.memory_space<vmem_shared>>) dst(%dma_wait3A_275 : memref<256x1024xf32, #tpu.memory_space<hbm>>)
    %add3A_276 = arith.constant 1024 : i32
    %add3A_277 = arith.addi %add3A_1, %add3A_276 : i32
    %dma_wait3A_278 = arith.constant 2 : i32
    %dma_wait3A_279 = arith.constant 0 : i32
    %dma_wait3A_280 = tpu.memref_slice %arg2[%dma_wait3A_278, %add3A_277, %dma_wait3A_279] : memref<4x8192x1024xf32, #tpu.memory_space<hbm>> -> memref<1x256x1024xf32, #tpu.memory_space<hbm>>
    %dma_wait3A_281 = tpu.memref_squeeze %dma_wait3A_280 : memref<1x256x1024xf32, #tpu.memory_space<hbm>> -> memref<256x1024xf32, #tpu.memory_space<hbm>>
    tpu.wait_dma2 semaphore(%arg7 : memref<!tpu.dma_semaphore, #tpu.memory_space<semaphore_mem>>) src(%arg3 : memref<256x1024xf32, #tpu.memory_space<vmem_shared>>) dst(%dma_wait3A_281 : memref<256x1024xf32, #tpu.memory_space<hbm>>)
    %add3A_282 = arith.constant 1024 : i32
    %add3A_283 = arith.addi %add3A_1, %add3A_282 : i32
    %dma_wait3A_284 = arith.constant 3 : i32
    %dma_wait3A_285 = arith.constant 0 : i32
    %dma_wait3A_286 = tpu.memref_slice %arg2[%dma_wait3A_284, %add3A_283, %dma_wait3A_285] : memref<4x8192x1024xf32, #tpu.memory_space<hbm>> -> memref<1x256x1024xf32, #tpu.memory_space<hbm>>
    %dma_wait3A_287 = tpu.memref_squeeze %dma_wait3A_286 : memref<1x256x1024xf32, #tpu.memory_space<hbm>> -> memref<256x1024xf32, #tpu.memory_space<hbm>>
    tpu.wait_dma2 semaphore(%arg7 : memref<!tpu.dma_semaphore, #tpu.memory_space<semaphore_mem>>) src(%arg3 : memref<256x1024xf32, #tpu.memory_space<vmem_shared>>) dst(%dma_wait3A_287 : memref<256x1024xf32, #tpu.memory_space<hbm>>)
    %add3A_288 = arith.constant 1536 : i32
    %add3A_289 = arith.addi %add3A_1, %add3A_288 : i32
    %dma_start3A_290 = arith.constant 0 : i32
    %dma_start3A_291 = tpu.memref_slice %arg1[%add3A_289, %dma_start3A_290] : memref<8192x1024xf32, #tpu.memory_space<hbm>> -> memref<256x1024xf32, #tpu.memory_space<hbm>>
    tpu.enqueue_dma source(%dma_start3A_291 : memref<256x1024xf32, #tpu.memory_space<hbm>>) target(%arg3 : memref<256x1024xf32, #tpu.memory_space<vmem_shared>>) target_semaphore(%arg5 : memref<!tpu.dma_semaphore, #tpu.memory_space<semaphore_mem>>)
    %add3A_292 = arith.constant 1280 : i32
    %add3A_293 = arith.addi %add3A_1, %add3A_292 : i32
    %dma_start3A_294 = arith.constant 0 : i32
    %dma_start3A_295 = arith.constant 0 : i32
    %dma_start3A_296 = tpu.memref_slice %arg2[%dma_start3A_294, %add3A_293, %dma_start3A_295] : memref<4x8192x1024xf32, #tpu.memory_space<hbm>> -> memref<1x256x1024xf32, #tpu.memory_space<hbm>>
    %dma_start3A_297 = tpu.memref_squeeze %dma_start3A_296 : memref<1x256x1024xf32, #tpu.memory_space<hbm>> -> memref<256x1024xf32, #tpu.memory_space<hbm>>
    tpu.enqueue_dma source(%arg4 : memref<256x1024xf32, #tpu.memory_space<vmem_shared>>) target(%dma_start3A_297 : memref<256x1024xf32, #tpu.memory_space<hbm>>) target_semaphore(%arg8 : memref<!tpu.dma_semaphore, #tpu.memory_space<semaphore_mem>>)
    %add3A_298 = arith.constant 1280 : i32
    %add3A_299 = arith.addi %add3A_1, %add3A_298 : i32
    %dma_start3A_300 = arith.constant 1 : i32
    %dma_start3A_301 = arith.constant 0 : i32
    %dma_start3A_302 = tpu.memref_slice %arg2[%dma_start3A_300, %add3A_299, %dma_start3A_301] : memref<4x8192x1024xf32, #tpu.memory_space<hbm>> -> memref<1x256x1024xf32, #tpu.memory_space<hbm>>
    %dma_start3A_303 = tpu.memref_squeeze %dma_start3A_302 : memref<1x256x1024xf32, #tpu.memory_space<hbm>> -> memref<256x1024xf32, #tpu.memory_space<hbm>>
    tpu.enqueue_dma source(%arg4 : memref<256x1024xf32, #tpu.memory_space<vmem_shared>>) target(%dma_start3A_303 : memref<256x1024xf32, #tpu.memory_space<hbm>>) target_semaphore(%arg8 : memref<!tpu.dma_semaphore, #tpu.memory_space<semaphore_mem>>)
    %add3A_304 = arith.constant 1280 : i32
    %add3A_305 = arith.addi %add3A_1, %add3A_304 : i32
    %dma_start3A_306 = arith.constant 2 : i32
    %dma_start3A_307 = arith.constant 0 : i32
    %dma_start3A_308 = tpu.memref_slice %arg2[%dma_start3A_306, %add3A_305, %dma_start3A_307] : memref<4x8192x1024xf32, #tpu.memory_space<hbm>> -> memref<1x256x1024xf32, #tpu.memory_space<hbm>>
    %dma_start3A_309 = tpu.memref_squeeze %dma_start3A_308 : memref<1x256x1024xf32, #tpu.memory_space<hbm>> -> memref<256x1024xf32, #tpu.memory_space<hbm>>
    tpu.enqueue_dma source(%arg4 : memref<256x1024xf32, #tpu.memory_space<vmem_shared>>) target(%dma_start3A_309 : memref<256x1024xf32, #tpu.memory_space<hbm>>) target_semaphore(%arg8 : memref<!tpu.dma_semaphore, #tpu.memory_space<semaphore_mem>>)
    %add3A_310 = arith.constant 1280 : i32
    %add3A_311 = arith.addi %add3A_1, %add3A_310 : i32
    %dma_start3A_312 = arith.constant 3 : i32
    %dma_start3A_313 = arith.constant 0 : i32
    %dma_start3A_314 = tpu.memref_slice %arg2[%dma_start3A_312, %add3A_311, %dma_start3A_313] : memref<4x8192x1024xf32, #tpu.memory_space<hbm>> -> memref<1x256x1024xf32, #tpu.memory_space<hbm>>
    %dma_start3A_315 = tpu.memref_squeeze %dma_start3A_314 : memref<1x256x1024xf32, #tpu.memory_space<hbm>> -> memref<256x1024xf32, #tpu.memory_space<hbm>>
    tpu.enqueue_dma source(%arg4 : memref<256x1024xf32, #tpu.memory_space<vmem_shared>>) target(%dma_start3A_315 : memref<256x1024xf32, #tpu.memory_space<hbm>>) target_semaphore(%arg8 : memref<!tpu.dma_semaphore, #tpu.memory_space<semaphore_mem>>)
    %add3A_316 = arith.constant 1536 : i32
    %add3A_317 = arith.addi %add3A_1, %add3A_316 : i32
    %dma_wait3A_318 = arith.constant 0 : i32
    %dma_wait3A_319 = tpu.memref_slice %arg1[%add3A_317, %dma_wait3A_318] : memref<8192x1024xf32, #tpu.memory_space<hbm>> -> memref<256x1024xf32, #tpu.memory_space<hbm>>
    tpu.wait_dma2 semaphore(%arg5 : memref<!tpu.dma_semaphore, #tpu.memory_space<semaphore_mem>>) src(%dma_wait3A_319 : memref<256x1024xf32, #tpu.memory_space<hbm>>) dst(%arg3 : memref<256x1024xf32, #tpu.memory_space<vmem_shared>>)
    %add3A_320 = arith.constant 1280 : i32
    %add3A_321 = arith.addi %add3A_1, %add3A_320 : i32
    %dma_wait3A_322 = arith.constant 0 : i32
    %dma_wait3A_323 = arith.constant 0 : i32
    %dma_wait3A_324 = tpu.memref_slice %arg2[%dma_wait3A_322, %add3A_321, %dma_wait3A_323] : memref<4x8192x1024xf32, #tpu.memory_space<hbm>> -> memref<1x256x1024xf32, #tpu.memory_space<hbm>>
    %dma_wait3A_325 = tpu.memref_squeeze %dma_wait3A_324 : memref<1x256x1024xf32, #tpu.memory_space<hbm>> -> memref<256x1024xf32, #tpu.memory_space<hbm>>
    tpu.wait_dma2 semaphore(%arg8 : memref<!tpu.dma_semaphore, #tpu.memory_space<semaphore_mem>>) src(%arg4 : memref<256x1024xf32, #tpu.memory_space<vmem_shared>>) dst(%dma_wait3A_325 : memref<256x1024xf32, #tpu.memory_space<hbm>>)
    %add3A_326 = arith.constant 1280 : i32
    %add3A_327 = arith.addi %add3A_1, %add3A_326 : i32
    %dma_wait3A_328 = arith.constant 1 : i32
    %dma_wait3A_329 = arith.constant 0 : i32
    %dma_wait3A_330 = tpu.memref_slice %arg2[%dma_wait3A_328, %add3A_327, %dma_wait3A_329] : memref<4x8192x1024xf32, #tpu.memory_space<hbm>> -> memref<1x256x1024xf32, #tpu.memory_space<hbm>>
    %dma_wait3A_331 = tpu.memref_squeeze %dma_wait3A_330 : memref<1x256x1024xf32, #tpu.memory_space<hbm>> -> memref<256x1024xf32, #tpu.memory_space<hbm>>
    tpu.wait_dma2 semaphore(%arg8 : memref<!tpu.dma_semaphore, #tpu.memory_space<semaphore_mem>>) src(%arg4 : memref<256x1024xf32, #tpu.memory_space<vmem_shared>>) dst(%dma_wait3A_331 : memref<256x1024xf32, #tpu.memory_space<hbm>>)
    %add3A_332 = arith.constant 1280 : i32
    %add3A_333 = arith.addi %add3A_1, %add3A_332 : i32
    %dma_wait3A_334 = arith.constant 2 : i32
    %dma_wait3A_335 = arith.constant 0 : i32
    %dma_wait3A_336 = tpu.memref_slice %arg2[%dma_wait3A_334, %add3A_333, %dma_wait3A_335] : memref<4x8192x1024xf32, #tpu.memory_space<hbm>> -> memref<1x256x1024xf32, #tpu.memory_space<hbm>>
    %dma_wait3A_337 = tpu.memref_squeeze %dma_wait3A_336 : memref<1x256x1024xf32, #tpu.memory_space<hbm>> -> memref<256x1024xf32, #tpu.memory_space<hbm>>
    tpu.wait_dma2 semaphore(%arg8 : memref<!tpu.dma_semaphore, #tpu.memory_space<semaphore_mem>>) src(%arg4 : memref<256x1024xf32, #tpu.memory_space<vmem_shared>>) dst(%dma_wait3A_337 : memref<256x1024xf32, #tpu.memory_space<hbm>>)
    %add3A_338 = arith.constant 1280 : i32
    %add3A_339 = arith.addi %add3A_1, %add3A_338 : i32
    %dma_wait3A_340 = arith.constant 3 : i32
    %dma_wait3A_341 = arith.constant 0 : i32
    %dma_wait3A_342 = tpu.memref_slice %arg2[%dma_wait3A_340, %add3A_339, %dma_wait3A_341] : memref<4x8192x1024xf32, #tpu.memory_space<hbm>> -> memref<1x256x1024xf32, #tpu.memory_space<hbm>>
    %dma_wait3A_343 = tpu.memref_squeeze %dma_wait3A_342 : memref<1x256x1024xf32, #tpu.memory_space<hbm>> -> memref<256x1024xf32, #tpu.memory_space<hbm>>
    tpu.wait_dma2 semaphore(%arg8 : memref<!tpu.dma_semaphore, #tpu.memory_space<semaphore_mem>>) src(%arg4 : memref<256x1024xf32, #tpu.memory_space<vmem_shared>>) dst(%dma_wait3A_343 : memref<256x1024xf32, #tpu.memory_space<hbm>>)
    %add3A_344 = arith.constant 1792 : i32
    %add3A_345 = arith.addi %add3A_1, %add3A_344 : i32
    %dma_start3A_346 = arith.constant 0 : i32
    %dma_start3A_347 = tpu.memref_slice %arg1[%add3A_345, %dma_start3A_346] : memref<8192x1024xf32, #tpu.memory_space<hbm>> -> memref<256x1024xf32, #tpu.memory_space<hbm>>
    tpu.enqueue_dma source(%dma_start3A_347 : memref<256x1024xf32, #tpu.memory_space<hbm>>) target(%arg4 : memref<256x1024xf32, #tpu.memory_space<vmem_shared>>) target_semaphore(%arg6 : memref<!tpu.dma_semaphore, #tpu.memory_space<semaphore_mem>>)
    %add3A_348 = arith.constant 1536 : i32
    %add3A_349 = arith.addi %add3A_1, %add3A_348 : i32
    %dma_start3A_350 = arith.constant 0 : i32
    %dma_start3A_351 = arith.constant 0 : i32
    %dma_start3A_352 = tpu.memref_slice %arg2[%dma_start3A_350, %add3A_349, %dma_start3A_351] : memref<4x8192x1024xf32, #tpu.memory_space<hbm>> -> memref<1x256x1024xf32, #tpu.memory_space<hbm>>
    %dma_start3A_353 = tpu.memref_squeeze %dma_start3A_352 : memref<1x256x1024xf32, #tpu.memory_space<hbm>> -> memref<256x1024xf32, #tpu.memory_space<hbm>>
    tpu.enqueue_dma source(%arg3 : memref<256x1024xf32, #tpu.memory_space<vmem_shared>>) target(%dma_start3A_353 : memref<256x1024xf32, #tpu.memory_space<hbm>>) target_semaphore(%arg7 : memref<!tpu.dma_semaphore, #tpu.memory_space<semaphore_mem>>)
    %add3A_354 = arith.constant 1536 : i32
    %add3A_355 = arith.addi %add3A_1, %add3A_354 : i32
    %dma_start3A_356 = arith.constant 1 : i32
    %dma_start3A_357 = arith.constant 0 : i32
    %dma_start3A_358 = tpu.memref_slice %arg2[%dma_start3A_356, %add3A_355, %dma_start3A_357] : memref<4x8192x1024xf32, #tpu.memory_space<hbm>> -> memref<1x256x1024xf32, #tpu.memory_space<hbm>>
    %dma_start3A_359 = tpu.memref_squeeze %dma_start3A_358 : memref<1x256x1024xf32, #tpu.memory_space<hbm>> -> memref<256x1024xf32, #tpu.memory_space<hbm>>
    tpu.enqueue_dma source(%arg3 : memref<256x1024xf32, #tpu.memory_space<vmem_shared>>) target(%dma_start3A_359 : memref<256x1024xf32, #tpu.memory_space<hbm>>) target_semaphore(%arg7 : memref<!tpu.dma_semaphore, #tpu.memory_space<semaphore_mem>>)
    %add3A_360 = arith.constant 1536 : i32
    %add3A_361 = arith.addi %add3A_1, %add3A_360 : i32
    %dma_start3A_362 = arith.constant 2 : i32
    %dma_start3A_363 = arith.constant 0 : i32
    %dma_start3A_364 = tpu.memref_slice %arg2[%dma_start3A_362, %add3A_361, %dma_start3A_363] : memref<4x8192x1024xf32, #tpu.memory_space<hbm>> -> memref<1x256x1024xf32, #tpu.memory_space<hbm>>
    %dma_start3A_365 = tpu.memref_squeeze %dma_start3A_364 : memref<1x256x1024xf32, #tpu.memory_space<hbm>> -> memref<256x1024xf32, #tpu.memory_space<hbm>>
    tpu.enqueue_dma source(%arg3 : memref<256x1024xf32, #tpu.memory_space<vmem_shared>>) target(%dma_start3A_365 : memref<256x1024xf32, #tpu.memory_space<hbm>>) target_semaphore(%arg7 : memref<!tpu.dma_semaphore, #tpu.memory_space<semaphore_mem>>)
    %add3A_366 = arith.constant 1536 : i32
    %add3A_367 = arith.addi %add3A_1, %add3A_366 : i32
    %dma_start3A_368 = arith.constant 3 : i32
    %dma_start3A_369 = arith.constant 0 : i32
    %dma_start3A_370 = tpu.memref_slice %arg2[%dma_start3A_368, %add3A_367, %dma_start3A_369] : memref<4x8192x1024xf32, #tpu.memory_space<hbm>> -> memref<1x256x1024xf32, #tpu.memory_space<hbm>>
    %dma_start3A_371 = tpu.memref_squeeze %dma_start3A_370 : memref<1x256x1024xf32, #tpu.memory_space<hbm>> -> memref<256x1024xf32, #tpu.memory_space<hbm>>
    tpu.enqueue_dma source(%arg3 : memref<256x1024xf32, #tpu.memory_space<vmem_shared>>) target(%dma_start3A_371 : memref<256x1024xf32, #tpu.memory_space<hbm>>) target_semaphore(%arg7 : memref<!tpu.dma_semaphore, #tpu.memory_space<semaphore_mem>>)
    %add3A_372 = arith.constant 1792 : i32
    %add3A_373 = arith.addi %add3A_1, %add3A_372 : i32
    %dma_wait3A_374 = arith.constant 0 : i32
    %dma_wait3A_375 = tpu.memref_slice %arg1[%add3A_373, %dma_wait3A_374] : memref<8192x1024xf32, #tpu.memory_space<hbm>> -> memref<256x1024xf32, #tpu.memory_space<hbm>>
    tpu.wait_dma2 semaphore(%arg6 : memref<!tpu.dma_semaphore, #tpu.memory_space<semaphore_mem>>) src(%dma_wait3A_375 : memref<256x1024xf32, #tpu.memory_space<hbm>>) dst(%arg4 : memref<256x1024xf32, #tpu.memory_space<vmem_shared>>)
    %add3A_376 = arith.constant 1536 : i32
    %add3A_377 = arith.addi %add3A_1, %add3A_376 : i32
    %dma_wait3A_378 = arith.constant 0 : i32
    %dma_wait3A_379 = arith.constant 0 : i32
    %dma_wait3A_380 = tpu.memref_slice %arg2[%dma_wait3A_378, %add3A_377, %dma_wait3A_379] : memref<4x8192x1024xf32, #tpu.memory_space<hbm>> -> memref<1x256x1024xf32, #tpu.memory_space<hbm>>
    %dma_wait3A_381 = tpu.memref_squeeze %dma_wait3A_380 : memref<1x256x1024xf32, #tpu.memory_space<hbm>> -> memref<256x1024xf32, #tpu.memory_space<hbm>>
    tpu.wait_dma2 semaphore(%arg7 : memref<!tpu.dma_semaphore, #tpu.memory_space<semaphore_mem>>) src(%arg3 : memref<256x1024xf32, #tpu.memory_space<vmem_shared>>) dst(%dma_wait3A_381 : memref<256x1024xf32, #tpu.memory_space<hbm>>)
    %add3A_382 = arith.constant 1536 : i32
    %add3A_383 = arith.addi %add3A_1, %add3A_382 : i32
    %dma_wait3A_384 = arith.constant 1 : i32
    %dma_wait3A_385 = arith.constant 0 : i32
    %dma_wait3A_386 = tpu.memref_slice %arg2[%dma_wait3A_384, %add3A_383, %dma_wait3A_385] : memref<4x8192x1024xf32, #tpu.memory_space<hbm>> -> memref<1x256x1024xf32, #tpu.memory_space<hbm>>
    %dma_wait3A_387 = tpu.memref_squeeze %dma_wait3A_386 : memref<1x256x1024xf32, #tpu.memory_space<hbm>> -> memref<256x1024xf32, #tpu.memory_space<hbm>>
    tpu.wait_dma2 semaphore(%arg7 : memref<!tpu.dma_semaphore, #tpu.memory_space<semaphore_mem>>) src(%arg3 : memref<256x1024xf32, #tpu.memory_space<vmem_shared>>) dst(%dma_wait3A_387 : memref<256x1024xf32, #tpu.memory_space<hbm>>)
    %add3A_388 = arith.constant 1536 : i32
    %add3A_389 = arith.addi %add3A_1, %add3A_388 : i32
    %dma_wait3A_390 = arith.constant 2 : i32
    %dma_wait3A_391 = arith.constant 0 : i32
    %dma_wait3A_392 = tpu.memref_slice %arg2[%dma_wait3A_390, %add3A_389, %dma_wait3A_391] : memref<4x8192x1024xf32, #tpu.memory_space<hbm>> -> memref<1x256x1024xf32, #tpu.memory_space<hbm>>
    %dma_wait3A_393 = tpu.memref_squeeze %dma_wait3A_392 : memref<1x256x1024xf32, #tpu.memory_space<hbm>> -> memref<256x1024xf32, #tpu.memory_space<hbm>>
    tpu.wait_dma2 semaphore(%arg7 : memref<!tpu.dma_semaphore, #tpu.memory_space<semaphore_mem>>) src(%arg3 : memref<256x1024xf32, #tpu.memory_space<vmem_shared>>) dst(%dma_wait3A_393 : memref<256x1024xf32, #tpu.memory_space<hbm>>)
    %add3A_394 = arith.constant 1536 : i32
    %add3A_395 = arith.addi %add3A_1, %add3A_394 : i32
    %dma_wait3A_396 = arith.constant 3 : i32
    %dma_wait3A_397 = arith.constant 0 : i32
    %dma_wait3A_398 = tpu.memref_slice %arg2[%dma_wait3A_396, %add3A_395, %dma_wait3A_397] : memref<4x8192x1024xf32, #tpu.memory_space<hbm>> -> memref<1x256x1024xf32, #tpu.memory_space<hbm>>
    %dma_wait3A_399 = tpu.memref_squeeze %dma_wait3A_398 : memref<1x256x1024xf32, #tpu.memory_space<hbm>> -> memref<256x1024xf32, #tpu.memory_space<hbm>>
    tpu.wait_dma2 semaphore(%arg7 : memref<!tpu.dma_semaphore, #tpu.memory_space<semaphore_mem>>) src(%arg3 : memref<256x1024xf32, #tpu.memory_space<vmem_shared>>) dst(%dma_wait3A_399 : memref<256x1024xf32, #tpu.memory_space<hbm>>)
    %add3A_400 = arith.constant 1792 : i32
    %add3A_401 = arith.addi %add3A_1, %add3A_400 : i32
    %dma_start3A_402 = arith.constant 0 : i32
    %dma_start3A_403 = arith.constant 0 : i32
    %dma_start3A_404 = tpu.memref_slice %arg2[%dma_start3A_402, %add3A_401, %dma_start3A_403] : memref<4x8192x1024xf32, #tpu.memory_space<hbm>> -> memref<1x256x1024xf32, #tpu.memory_space<hbm>>
    %dma_start3A_405 = tpu.memref_squeeze %dma_start3A_404 : memref<1x256x1024xf32, #tpu.memory_space<hbm>> -> memref<256x1024xf32, #tpu.memory_space<hbm>>
    tpu.enqueue_dma source(%arg4 : memref<256x1024xf32, #tpu.memory_space<vmem_shared>>) target(%dma_start3A_405 : memref<256x1024xf32, #tpu.memory_space<hbm>>) target_semaphore(%arg8 : memref<!tpu.dma_semaphore, #tpu.memory_space<semaphore_mem>>)
    %add3A_406 = arith.constant 1792 : i32
    %add3A_407 = arith.addi %add3A_1, %add3A_406 : i32
    %dma_start3A_408 = arith.constant 1 : i32
    %dma_start3A_409 = arith.constant 0 : i32
    %dma_start3A_410 = tpu.memref_slice %arg2[%dma_start3A_408, %add3A_407, %dma_start3A_409] : memref<4x8192x1024xf32, #tpu.memory_space<hbm>> -> memref<1x256x1024xf32, #tpu.memory_space<hbm>>
    %dma_start3A_411 = tpu.memref_squeeze %dma_start3A_410 : memref<1x256x1024xf32, #tpu.memory_space<hbm>> -> memref<256x1024xf32, #tpu.memory_space<hbm>>
    tpu.enqueue_dma source(%arg4 : memref<256x1024xf32, #tpu.memory_space<vmem_shared>>) target(%dma_start3A_411 : memref<256x1024xf32, #tpu.memory_space<hbm>>) target_semaphore(%arg8 : memref<!tpu.dma_semaphore, #tpu.memory_space<semaphore_mem>>)
    %add3A_412 = arith.constant 1792 : i32
    %add3A_413 = arith.addi %add3A_1, %add3A_412 : i32
    %dma_start3A_414 = arith.constant 2 : i32
    %dma_start3A_415 = arith.constant 0 : i32
    %dma_start3A_416 = tpu.memref_slice %arg2[%dma_start3A_414, %add3A_413, %dma_start3A_415] : memref<4x8192x1024xf32, #tpu.memory_space<hbm>> -> memref<1x256x1024xf32, #tpu.memory_space<hbm>>
    %dma_start3A_417 = tpu.memref_squeeze %dma_start3A_416 : memref<1x256x1024xf32, #tpu.memory_space<hbm>> -> memref<256x1024xf32, #tpu.memory_space<hbm>>
    tpu.enqueue_dma source(%arg4 : memref<256x1024xf32, #tpu.memory_space<vmem_shared>>) target(%dma_start3A_417 : memref<256x1024xf32, #tpu.memory_space<hbm>>) target_semaphore(%arg8 : memref<!tpu.dma_semaphore, #tpu.memory_space<semaphore_mem>>)
    %add3A_418 = arith.constant 1792 : i32
    %add3A_419 = arith.addi %add3A_1, %add3A_418 : i32
    %dma_start3A_420 = arith.constant 3 : i32
    %dma_start3A_421 = arith.constant 0 : i32
    %dma_start3A_422 = tpu.memref_slice %arg2[%dma_start3A_420, %add3A_419, %dma_start3A_421] : memref<4x8192x1024xf32, #tpu.memory_space<hbm>> -> memref<1x256x1024xf32, #tpu.memory_space<hbm>>
    %dma_start3A_423 = tpu.memref_squeeze %dma_start3A_422 : memref<1x256x1024xf32, #tpu.memory_space<hbm>> -> memref<256x1024xf32, #tpu.memory_space<hbm>>
    tpu.enqueue_dma source(%arg4 : memref<256x1024xf32, #tpu.memory_space<vmem_shared>>) target(%dma_start3A_423 : memref<256x1024xf32, #tpu.memory_space<hbm>>) target_semaphore(%arg8 : memref<!tpu.dma_semaphore, #tpu.memory_space<semaphore_mem>>)
    %add3A_424 = arith.constant 1792 : i32
    %add3A_425 = arith.addi %add3A_1, %add3A_424 : i32
    %dma_wait3A_426 = arith.constant 0 : i32
    %dma_wait3A_427 = arith.constant 0 : i32
    %dma_wait3A_428 = tpu.memref_slice %arg2[%dma_wait3A_426, %add3A_425, %dma_wait3A_427] : memref<4x8192x1024xf32, #tpu.memory_space<hbm>> -> memref<1x256x1024xf32, #tpu.memory_space<hbm>>
    %dma_wait3A_429 = tpu.memref_squeeze %dma_wait3A_428 : memref<1x256x1024xf32, #tpu.memory_space<hbm>> -> memref<256x1024xf32, #tpu.memory_space<hbm>>
    tpu.wait_dma2 semaphore(%arg8 : memref<!tpu.dma_semaphore, #tpu.memory_space<semaphore_mem>>) src(%arg4 : memref<256x1024xf32, #tpu.memory_space<vmem_shared>>) dst(%dma_wait3A_429 : memref<256x1024xf32, #tpu.memory_space<hbm>>)
    %add3A_430 = arith.constant 1792 : i32
    %add3A_431 = arith.addi %add3A_1, %add3A_430 : i32
    %dma_wait3A_432 = arith.constant 1 : i32
    %dma_wait3A_433 = arith.constant 0 : i32
    %dma_wait3A_434 = tpu.memref_slice %arg2[%dma_wait3A_432, %add3A_431, %dma_wait3A_433] : memref<4x8192x1024xf32, #tpu.memory_space<hbm>> -> memref<1x256x1024xf32, #tpu.memory_space<hbm>>
    %dma_wait3A_435 = tpu.memref_squeeze %dma_wait3A_434 : memref<1x256x1024xf32, #tpu.memory_space<hbm>> -> memref<256x1024xf32, #tpu.memory_space<hbm>>
    tpu.wait_dma2 semaphore(%arg8 : memref<!tpu.dma_semaphore, #tpu.memory_space<semaphore_mem>>) src(%arg4 : memref<256x1024xf32, #tpu.memory_space<vmem_shared>>) dst(%dma_wait3A_435 : memref<256x1024xf32, #tpu.memory_space<hbm>>)
    %add3A_436 = arith.constant 1792 : i32
    %add3A_437 = arith.addi %add3A_1, %add3A_436 : i32
    %dma_wait3A_438 = arith.constant 2 : i32
    %dma_wait3A_439 = arith.constant 0 : i32
    %dma_wait3A_440 = tpu.memref_slice %arg2[%dma_wait3A_438, %add3A_437, %dma_wait3A_439] : memref<4x8192x1024xf32, #tpu.memory_space<hbm>> -> memref<1x256x1024xf32, #tpu.memory_space<hbm>>
    %dma_wait3A_441 = tpu.memref_squeeze %dma_wait3A_440 : memref<1x256x1024xf32, #tpu.memory_space<hbm>> -> memref<256x1024xf32, #tpu.memory_space<hbm>>
    tpu.wait_dma2 semaphore(%arg8 : memref<!tpu.dma_semaphore, #tpu.memory_space<semaphore_mem>>) src(%arg4 : memref<256x1024xf32, #tpu.memory_space<vmem_shared>>) dst(%dma_wait3A_441 : memref<256x1024xf32, #tpu.memory_space<hbm>>)
    %add3A_442 = arith.constant 1792 : i32
    %add3A_443 = arith.addi %add3A_1, %add3A_442 : i32
    %dma_wait3A_444 = arith.constant 3 : i32
    %dma_wait3A_445 = arith.constant 0 : i32
    %dma_wait3A_446 = tpu.memref_slice %arg2[%dma_wait3A_444, %add3A_443, %dma_wait3A_445] : memref<4x8192x1024xf32, #tpu.memory_space<hbm>> -> memref<1x256x1024xf32, #tpu.memory_space<hbm>>
    %dma_wait3A_447 = tpu.memref_squeeze %dma_wait3A_446 : memref<1x256x1024xf32, #tpu.memory_space<hbm>> -> memref<256x1024xf32, #tpu.memory_space<hbm>>
    tpu.wait_dma2 semaphore(%arg8 : memref<!tpu.dma_semaphore, #tpu.memory_space<semaphore_mem>>) src(%arg4 : memref<256x1024xf32, #tpu.memory_space<vmem_shared>>) dst(%dma_wait3A_447 : memref<256x1024xf32, #tpu.memory_space<hbm>>)
    return
  }
}

module attributes {stable_mosaic.version = 14 : i64} {
  func.func @body(%arg0: memref<8192x1024xf32, #tpu.memory_space<any>>, %arg1: memref<4x8192x1024xf32, #tpu.memory_space<any>>, %arg2: memref<4x8192x1024xf32, #tpu.memory_space<any>>, %arg3: memref<4096x1024xf32, #tpu.memory_space<vmem>>, %arg4: memref<8x!tpu.dma_semaphore, #tpu.memory_space<semaphore_mem>>, %arg5: memref<8x4x!tpu.dma_semaphore, #tpu.memory_space<semaphore_mem>>) attributes {dimension_semantics = [], scalar_prefetch = 0 : i64, scratch_operands = 3 : i64, tpu.core_type = #tpu.core_type<tc>} {
    %dma_start3A = arith.constant 0 : i32
    %dma_start3A_0 = tpu.memref_slice %arg4[%dma_start3A] : memref<8x!tpu.dma_semaphore, #tpu.memory_space<semaphore_mem>> -> memref<1x!tpu.dma_semaphore, #tpu.memory_space<semaphore_mem>>
    %dma_start3A_1 = tpu.memref_squeeze %dma_start3A_0 : memref<1x!tpu.dma_semaphore, #tpu.memory_space<semaphore_mem>> -> memref<!tpu.dma_semaphore, #tpu.memory_space<semaphore_mem>>
    %dma_start3A_2 = arith.constant 0 : i32
    %dma_start3A_3 = arith.constant 0 : i32
    %dma_start3A_4 = tpu.memref_slice %arg3[%dma_start3A_2, %dma_start3A_3] : memref<4096x1024xf32, #tpu.memory_space<vmem>> -> memref<512x1024xf32, #tpu.memory_space<vmem>>
    %dma_start3A_5 = arith.constant 0 : i32
    %dma_start3A_6 = arith.constant 0 : i32
    %dma_start3A_7 = tpu.memref_slice %arg0[%dma_start3A_5, %dma_start3A_6] : memref<8192x1024xf32, #tpu.memory_space<any>> -> memref<512x1024xf32, #tpu.memory_space<any>>
    tpu.enqueue_dma source(%dma_start3A_7 : memref<512x1024xf32, #tpu.memory_space<any>>) target(%dma_start3A_4 : memref<512x1024xf32, #tpu.memory_space<vmem>>) target_semaphore(%dma_start3A_1 : memref<!tpu.dma_semaphore, #tpu.memory_space<semaphore_mem>>)
    %dma_start3A_8 = arith.constant 1 : i32
    %dma_start3A_9 = tpu.memref_slice %arg4[%dma_start3A_8] : memref<8x!tpu.dma_semaphore, #tpu.memory_space<semaphore_mem>> -> memref<1x!tpu.dma_semaphore, #tpu.memory_space<semaphore_mem>>
    %dma_start3A_10 = tpu.memref_squeeze %dma_start3A_9 : memref<1x!tpu.dma_semaphore, #tpu.memory_space<semaphore_mem>> -> memref<!tpu.dma_semaphore, #tpu.memory_space<semaphore_mem>>
    %dma_start3A_11 = arith.constant 512 : i32
    %dma_start3A_12 = arith.constant 0 : i32
    %dma_start3A_13 = tpu.memref_slice %arg3[%dma_start3A_11, %dma_start3A_12] : memref<4096x1024xf32, #tpu.memory_space<vmem>> -> memref<512x1024xf32, #tpu.memory_space<vmem>>
    %dma_start3A_14 = arith.constant 512 : i32
    %dma_start3A_15 = arith.constant 0 : i32
    %dma_start3A_16 = tpu.memref_slice %arg0[%dma_start3A_14, %dma_start3A_15] : memref<8192x1024xf32, #tpu.memory_space<any>> -> memref<512x1024xf32, #tpu.memory_space<any>>
    tpu.enqueue_dma source(%dma_start3A_16 : memref<512x1024xf32, #tpu.memory_space<any>>) target(%dma_start3A_13 : memref<512x1024xf32, #tpu.memory_space<vmem>>) target_semaphore(%dma_start3A_10 : memref<!tpu.dma_semaphore, #tpu.memory_space<semaphore_mem>>)
    %dma_start3A_17 = arith.constant 2 : i32
    %dma_start3A_18 = tpu.memref_slice %arg4[%dma_start3A_17] : memref<8x!tpu.dma_semaphore, #tpu.memory_space<semaphore_mem>> -> memref<1x!tpu.dma_semaphore, #tpu.memory_space<semaphore_mem>>
    %dma_start3A_19 = tpu.memref_squeeze %dma_start3A_18 : memref<1x!tpu.dma_semaphore, #tpu.memory_space<semaphore_mem>> -> memref<!tpu.dma_semaphore, #tpu.memory_space<semaphore_mem>>
    %dma_start3A_20 = arith.constant 1024 : i32
    %dma_start3A_21 = arith.constant 0 : i32
    %dma_start3A_22 = tpu.memref_slice %arg3[%dma_start3A_20, %dma_start3A_21] : memref<4096x1024xf32, #tpu.memory_space<vmem>> -> memref<512x1024xf32, #tpu.memory_space<vmem>>
    %dma_start3A_23 = arith.constant 1024 : i32
    %dma_start3A_24 = arith.constant 0 : i32
    %dma_start3A_25 = tpu.memref_slice %arg0[%dma_start3A_23, %dma_start3A_24] : memref<8192x1024xf32, #tpu.memory_space<any>> -> memref<512x1024xf32, #tpu.memory_space<any>>
    tpu.enqueue_dma source(%dma_start3A_25 : memref<512x1024xf32, #tpu.memory_space<any>>) target(%dma_start3A_22 : memref<512x1024xf32, #tpu.memory_space<vmem>>) target_semaphore(%dma_start3A_19 : memref<!tpu.dma_semaphore, #tpu.memory_space<semaphore_mem>>)
    %dma_start3A_26 = arith.constant 3 : i32
    %dma_start3A_27 = tpu.memref_slice %arg4[%dma_start3A_26] : memref<8x!tpu.dma_semaphore, #tpu.memory_space<semaphore_mem>> -> memref<1x!tpu.dma_semaphore, #tpu.memory_space<semaphore_mem>>
    %dma_start3A_28 = tpu.memref_squeeze %dma_start3A_27 : memref<1x!tpu.dma_semaphore, #tpu.memory_space<semaphore_mem>> -> memref<!tpu.dma_semaphore, #tpu.memory_space<semaphore_mem>>
    %dma_start3A_29 = arith.constant 1536 : i32
    %dma_start3A_30 = arith.constant 0 : i32
    %dma_start3A_31 = tpu.memref_slice %arg3[%dma_start3A_29, %dma_start3A_30] : memref<4096x1024xf32, #tpu.memory_space<vmem>> -> memref<512x1024xf32, #tpu.memory_space<vmem>>
    %dma_start3A_32 = arith.constant 1536 : i32
    %dma_start3A_33 = arith.constant 0 : i32
    %dma_start3A_34 = tpu.memref_slice %arg0[%dma_start3A_32, %dma_start3A_33] : memref<8192x1024xf32, #tpu.memory_space<any>> -> memref<512x1024xf32, #tpu.memory_space<any>>
    tpu.enqueue_dma source(%dma_start3A_34 : memref<512x1024xf32, #tpu.memory_space<any>>) target(%dma_start3A_31 : memref<512x1024xf32, #tpu.memory_space<vmem>>) target_semaphore(%dma_start3A_28 : memref<!tpu.dma_semaphore, #tpu.memory_space<semaphore_mem>>)
    %dma_start3A_35 = arith.constant 4 : i32
    %dma_start3A_36 = tpu.memref_slice %arg4[%dma_start3A_35] : memref<8x!tpu.dma_semaphore, #tpu.memory_space<semaphore_mem>> -> memref<1x!tpu.dma_semaphore, #tpu.memory_space<semaphore_mem>>
    %dma_start3A_37 = tpu.memref_squeeze %dma_start3A_36 : memref<1x!tpu.dma_semaphore, #tpu.memory_space<semaphore_mem>> -> memref<!tpu.dma_semaphore, #tpu.memory_space<semaphore_mem>>
    %dma_start3A_38 = arith.constant 2048 : i32
    %dma_start3A_39 = arith.constant 0 : i32
    %dma_start3A_40 = tpu.memref_slice %arg3[%dma_start3A_38, %dma_start3A_39] : memref<4096x1024xf32, #tpu.memory_space<vmem>> -> memref<512x1024xf32, #tpu.memory_space<vmem>>
    %dma_start3A_41 = arith.constant 2048 : i32
    %dma_start3A_42 = arith.constant 0 : i32
    %dma_start3A_43 = tpu.memref_slice %arg0[%dma_start3A_41, %dma_start3A_42] : memref<8192x1024xf32, #tpu.memory_space<any>> -> memref<512x1024xf32, #tpu.memory_space<any>>
    tpu.enqueue_dma source(%dma_start3A_43 : memref<512x1024xf32, #tpu.memory_space<any>>) target(%dma_start3A_40 : memref<512x1024xf32, #tpu.memory_space<vmem>>) target_semaphore(%dma_start3A_37 : memref<!tpu.dma_semaphore, #tpu.memory_space<semaphore_mem>>)
    %dma_start3A_44 = arith.constant 5 : i32
    %dma_start3A_45 = tpu.memref_slice %arg4[%dma_start3A_44] : memref<8x!tpu.dma_semaphore, #tpu.memory_space<semaphore_mem>> -> memref<1x!tpu.dma_semaphore, #tpu.memory_space<semaphore_mem>>
    %dma_start3A_46 = tpu.memref_squeeze %dma_start3A_45 : memref<1x!tpu.dma_semaphore, #tpu.memory_space<semaphore_mem>> -> memref<!tpu.dma_semaphore, #tpu.memory_space<semaphore_mem>>
    %dma_start3A_47 = arith.constant 2560 : i32
    %dma_start3A_48 = arith.constant 0 : i32
    %dma_start3A_49 = tpu.memref_slice %arg3[%dma_start3A_47, %dma_start3A_48] : memref<4096x1024xf32, #tpu.memory_space<vmem>> -> memref<512x1024xf32, #tpu.memory_space<vmem>>
    %dma_start3A_50 = arith.constant 2560 : i32
    %dma_start3A_51 = arith.constant 0 : i32
    %dma_start3A_52 = tpu.memref_slice %arg0[%dma_start3A_50, %dma_start3A_51] : memref<8192x1024xf32, #tpu.memory_space<any>> -> memref<512x1024xf32, #tpu.memory_space<any>>
    tpu.enqueue_dma source(%dma_start3A_52 : memref<512x1024xf32, #tpu.memory_space<any>>) target(%dma_start3A_49 : memref<512x1024xf32, #tpu.memory_space<vmem>>) target_semaphore(%dma_start3A_46 : memref<!tpu.dma_semaphore, #tpu.memory_space<semaphore_mem>>)
    %dma_start3A_53 = arith.constant 6 : i32
    %dma_start3A_54 = tpu.memref_slice %arg4[%dma_start3A_53] : memref<8x!tpu.dma_semaphore, #tpu.memory_space<semaphore_mem>> -> memref<1x!tpu.dma_semaphore, #tpu.memory_space<semaphore_mem>>
    %dma_start3A_55 = tpu.memref_squeeze %dma_start3A_54 : memref<1x!tpu.dma_semaphore, #tpu.memory_space<semaphore_mem>> -> memref<!tpu.dma_semaphore, #tpu.memory_space<semaphore_mem>>
    %dma_start3A_56 = arith.constant 3072 : i32
    %dma_start3A_57 = arith.constant 0 : i32
    %dma_start3A_58 = tpu.memref_slice %arg3[%dma_start3A_56, %dma_start3A_57] : memref<4096x1024xf32, #tpu.memory_space<vmem>> -> memref<512x1024xf32, #tpu.memory_space<vmem>>
    %dma_start3A_59 = arith.constant 3072 : i32
    %dma_start3A_60 = arith.constant 0 : i32
    %dma_start3A_61 = tpu.memref_slice %arg0[%dma_start3A_59, %dma_start3A_60] : memref<8192x1024xf32, #tpu.memory_space<any>> -> memref<512x1024xf32, #tpu.memory_space<any>>
    tpu.enqueue_dma source(%dma_start3A_61 : memref<512x1024xf32, #tpu.memory_space<any>>) target(%dma_start3A_58 : memref<512x1024xf32, #tpu.memory_space<vmem>>) target_semaphore(%dma_start3A_55 : memref<!tpu.dma_semaphore, #tpu.memory_space<semaphore_mem>>)
    %dma_start3A_62 = arith.constant 7 : i32
    %dma_start3A_63 = tpu.memref_slice %arg4[%dma_start3A_62] : memref<8x!tpu.dma_semaphore, #tpu.memory_space<semaphore_mem>> -> memref<1x!tpu.dma_semaphore, #tpu.memory_space<semaphore_mem>>
    %dma_start3A_64 = tpu.memref_squeeze %dma_start3A_63 : memref<1x!tpu.dma_semaphore, #tpu.memory_space<semaphore_mem>> -> memref<!tpu.dma_semaphore, #tpu.memory_space<semaphore_mem>>
    %dma_start3A_65 = arith.constant 3584 : i32
    %dma_start3A_66 = arith.constant 0 : i32
    %dma_start3A_67 = tpu.memref_slice %arg3[%dma_start3A_65, %dma_start3A_66] : memref<4096x1024xf32, #tpu.memory_space<vmem>> -> memref<512x1024xf32, #tpu.memory_space<vmem>>
    %dma_start3A_68 = arith.constant 3584 : i32
    %dma_start3A_69 = arith.constant 0 : i32
    %dma_start3A_70 = tpu.memref_slice %arg0[%dma_start3A_68, %dma_start3A_69] : memref<8192x1024xf32, #tpu.memory_space<any>> -> memref<512x1024xf32, #tpu.memory_space<any>>
    tpu.enqueue_dma source(%dma_start3A_70 : memref<512x1024xf32, #tpu.memory_space<any>>) target(%dma_start3A_67 : memref<512x1024xf32, #tpu.memory_space<vmem>>) target_semaphore(%dma_start3A_64 : memref<!tpu.dma_semaphore, #tpu.memory_space<semaphore_mem>>)
    %dma_wait3A = arith.constant 0 : i32
    %dma_wait3A_71 = tpu.memref_slice %arg4[%dma_wait3A] : memref<8x!tpu.dma_semaphore, #tpu.memory_space<semaphore_mem>> -> memref<1x!tpu.dma_semaphore, #tpu.memory_space<semaphore_mem>>
    %dma_wait3A_72 = tpu.memref_squeeze %dma_wait3A_71 : memref<1x!tpu.dma_semaphore, #tpu.memory_space<semaphore_mem>> -> memref<!tpu.dma_semaphore, #tpu.memory_space<semaphore_mem>>
    %dma_wait3A_73 = arith.constant 0 : i32
    %dma_wait3A_74 = arith.constant 0 : i32
    %dma_wait3A_75 = tpu.memref_slice %arg3[%dma_wait3A_73, %dma_wait3A_74] : memref<4096x1024xf32, #tpu.memory_space<vmem>> -> memref<512x1024xf32, #tpu.memory_space<vmem>>
    %dma_wait3A_76 = arith.constant 0 : i32
    %dma_wait3A_77 = arith.constant 0 : i32
    %dma_wait3A_78 = tpu.memref_slice %arg0[%dma_wait3A_76, %dma_wait3A_77] : memref<8192x1024xf32, #tpu.memory_space<any>> -> memref<512x1024xf32, #tpu.memory_space<any>>
    tpu.wait_dma2 semaphore(%dma_wait3A_72 : memref<!tpu.dma_semaphore, #tpu.memory_space<semaphore_mem>>) src(%dma_wait3A_78 : memref<512x1024xf32, #tpu.memory_space<any>>) dst(%dma_wait3A_75 : memref<512x1024xf32, #tpu.memory_space<vmem>>)
    %dma_start3A_79 = arith.constant 0 : i32
    %dma_start3A_80 = arith.constant 0 : i32
    %dma_start3A_81 = arith.constant 0 : i32
    %dma_start3A_82 = tpu.memref_slice %arg5[%dma_start3A_80, %dma_start3A_81] : memref<8x4x!tpu.dma_semaphore, #tpu.memory_space<semaphore_mem>> -> memref<1x1x!tpu.dma_semaphore, #tpu.memory_space<semaphore_mem>>
    %dma_start3A_83 = tpu.memref_squeeze %dma_start3A_82 : memref<1x1x!tpu.dma_semaphore, #tpu.memory_space<semaphore_mem>> -> memref<!tpu.dma_semaphore, #tpu.memory_space<semaphore_mem>>
    %dma_start3A_84 = arith.constant 0 : i32
    %dma_start3A_85 = arith.constant 0 : i32
    %dma_start3A_86 = tpu.memref_slice %arg2[%dma_start3A_79, %dma_start3A_84, %dma_start3A_85] : memref<4x8192x1024xf32, #tpu.memory_space<any>> -> memref<1x512x1024xf32, #tpu.memory_space<any>>
    %dma_start3A_87 = tpu.memref_squeeze %dma_start3A_86 : memref<1x512x1024xf32, #tpu.memory_space<any>> -> memref<512x1024xf32, #tpu.memory_space<any>>
    %dma_start3A_88 = arith.constant 0 : i32
    %dma_start3A_89 = arith.constant 0 : i32
    %dma_start3A_90 = tpu.memref_slice %arg3[%dma_start3A_88, %dma_start3A_89] : memref<4096x1024xf32, #tpu.memory_space<vmem>> -> memref<512x1024xf32, #tpu.memory_space<vmem>>
    tpu.enqueue_dma source(%dma_start3A_90 : memref<512x1024xf32, #tpu.memory_space<vmem>>) target(%dma_start3A_87 : memref<512x1024xf32, #tpu.memory_space<any>>) target_semaphore(%dma_start3A_83 : memref<!tpu.dma_semaphore, #tpu.memory_space<semaphore_mem>>)
    %dma_start3A_91 = arith.constant 1 : i32
    %dma_start3A_92 = arith.constant 0 : i32
    %dma_start3A_93 = arith.constant 1 : i32
    %dma_start3A_94 = tpu.memref_slice %arg5[%dma_start3A_92, %dma_start3A_93] : memref<8x4x!tpu.dma_semaphore, #tpu.memory_space<semaphore_mem>> -> memref<1x1x!tpu.dma_semaphore, #tpu.memory_space<semaphore_mem>>
    %dma_start3A_95 = tpu.memref_squeeze %dma_start3A_94 : memref<1x1x!tpu.dma_semaphore, #tpu.memory_space<semaphore_mem>> -> memref<!tpu.dma_semaphore, #tpu.memory_space<semaphore_mem>>
    %dma_start3A_96 = arith.constant 0 : i32
    %dma_start3A_97 = arith.constant 0 : i32
    %dma_start3A_98 = tpu.memref_slice %arg2[%dma_start3A_91, %dma_start3A_96, %dma_start3A_97] : memref<4x8192x1024xf32, #tpu.memory_space<any>> -> memref<1x512x1024xf32, #tpu.memory_space<any>>
    %dma_start3A_99 = tpu.memref_squeeze %dma_start3A_98 : memref<1x512x1024xf32, #tpu.memory_space<any>> -> memref<512x1024xf32, #tpu.memory_space<any>>
    %dma_start3A_100 = arith.constant 0 : i32
    %dma_start3A_101 = arith.constant 0 : i32
    %dma_start3A_102 = tpu.memref_slice %arg3[%dma_start3A_100, %dma_start3A_101] : memref<4096x1024xf32, #tpu.memory_space<vmem>> -> memref<512x1024xf32, #tpu.memory_space<vmem>>
    tpu.enqueue_dma source(%dma_start3A_102 : memref<512x1024xf32, #tpu.memory_space<vmem>>) target(%dma_start3A_99 : memref<512x1024xf32, #tpu.memory_space<any>>) target_semaphore(%dma_start3A_95 : memref<!tpu.dma_semaphore, #tpu.memory_space<semaphore_mem>>)
    %dma_start3A_103 = arith.constant 2 : i32
    %dma_start3A_104 = arith.constant 0 : i32
    %dma_start3A_105 = arith.constant 2 : i32
    %dma_start3A_106 = tpu.memref_slice %arg5[%dma_start3A_104, %dma_start3A_105] : memref<8x4x!tpu.dma_semaphore, #tpu.memory_space<semaphore_mem>> -> memref<1x1x!tpu.dma_semaphore, #tpu.memory_space<semaphore_mem>>
    %dma_start3A_107 = tpu.memref_squeeze %dma_start3A_106 : memref<1x1x!tpu.dma_semaphore, #tpu.memory_space<semaphore_mem>> -> memref<!tpu.dma_semaphore, #tpu.memory_space<semaphore_mem>>
    %dma_start3A_108 = arith.constant 0 : i32
    %dma_start3A_109 = arith.constant 0 : i32
    %dma_start3A_110 = tpu.memref_slice %arg2[%dma_start3A_103, %dma_start3A_108, %dma_start3A_109] : memref<4x8192x1024xf32, #tpu.memory_space<any>> -> memref<1x512x1024xf32, #tpu.memory_space<any>>
    %dma_start3A_111 = tpu.memref_squeeze %dma_start3A_110 : memref<1x512x1024xf32, #tpu.memory_space<any>> -> memref<512x1024xf32, #tpu.memory_space<any>>
    %dma_start3A_112 = arith.constant 0 : i32
    %dma_start3A_113 = arith.constant 0 : i32
    %dma_start3A_114 = tpu.memref_slice %arg3[%dma_start3A_112, %dma_start3A_113] : memref<4096x1024xf32, #tpu.memory_space<vmem>> -> memref<512x1024xf32, #tpu.memory_space<vmem>>
    tpu.enqueue_dma source(%dma_start3A_114 : memref<512x1024xf32, #tpu.memory_space<vmem>>) target(%dma_start3A_111 : memref<512x1024xf32, #tpu.memory_space<any>>) target_semaphore(%dma_start3A_107 : memref<!tpu.dma_semaphore, #tpu.memory_space<semaphore_mem>>)
    %dma_start3A_115 = arith.constant 3 : i32
    %dma_start3A_116 = arith.constant 0 : i32
    %dma_start3A_117 = arith.constant 3 : i32
    %dma_start3A_118 = tpu.memref_slice %arg5[%dma_start3A_116, %dma_start3A_117] : memref<8x4x!tpu.dma_semaphore, #tpu.memory_space<semaphore_mem>> -> memref<1x1x!tpu.dma_semaphore, #tpu.memory_space<semaphore_mem>>
    %dma_start3A_119 = tpu.memref_squeeze %dma_start3A_118 : memref<1x1x!tpu.dma_semaphore, #tpu.memory_space<semaphore_mem>> -> memref<!tpu.dma_semaphore, #tpu.memory_space<semaphore_mem>>
    %dma_start3A_120 = arith.constant 0 : i32
    %dma_start3A_121 = arith.constant 0 : i32
    %dma_start3A_122 = tpu.memref_slice %arg2[%dma_start3A_115, %dma_start3A_120, %dma_start3A_121] : memref<4x8192x1024xf32, #tpu.memory_space<any>> -> memref<1x512x1024xf32, #tpu.memory_space<any>>
    %dma_start3A_123 = tpu.memref_squeeze %dma_start3A_122 : memref<1x512x1024xf32, #tpu.memory_space<any>> -> memref<512x1024xf32, #tpu.memory_space<any>>
    %dma_start3A_124 = arith.constant 0 : i32
    %dma_start3A_125 = arith.constant 0 : i32
    %dma_start3A_126 = tpu.memref_slice %arg3[%dma_start3A_124, %dma_start3A_125] : memref<4096x1024xf32, #tpu.memory_space<vmem>> -> memref<512x1024xf32, #tpu.memory_space<vmem>>
    tpu.enqueue_dma source(%dma_start3A_126 : memref<512x1024xf32, #tpu.memory_space<vmem>>) target(%dma_start3A_123 : memref<512x1024xf32, #tpu.memory_space<any>>) target_semaphore(%dma_start3A_119 : memref<!tpu.dma_semaphore, #tpu.memory_space<semaphore_mem>>)
    %dma_wait3A_127 = arith.constant 1 : i32
    %dma_wait3A_128 = tpu.memref_slice %arg4[%dma_wait3A_127] : memref<8x!tpu.dma_semaphore, #tpu.memory_space<semaphore_mem>> -> memref<1x!tpu.dma_semaphore, #tpu.memory_space<semaphore_mem>>
    %dma_wait3A_129 = tpu.memref_squeeze %dma_wait3A_128 : memref<1x!tpu.dma_semaphore, #tpu.memory_space<semaphore_mem>> -> memref<!tpu.dma_semaphore, #tpu.memory_space<semaphore_mem>>
    %dma_wait3A_130 = arith.constant 512 : i32
    %dma_wait3A_131 = arith.constant 0 : i32
    %dma_wait3A_132 = tpu.memref_slice %arg3[%dma_wait3A_130, %dma_wait3A_131] : memref<4096x1024xf32, #tpu.memory_space<vmem>> -> memref<512x1024xf32, #tpu.memory_space<vmem>>
    %dma_wait3A_133 = arith.constant 512 : i32
    %dma_wait3A_134 = arith.constant 0 : i32
    %dma_wait3A_135 = tpu.memref_slice %arg0[%dma_wait3A_133, %dma_wait3A_134] : memref<8192x1024xf32, #tpu.memory_space<any>> -> memref<512x1024xf32, #tpu.memory_space<any>>
    tpu.wait_dma2 semaphore(%dma_wait3A_129 : memref<!tpu.dma_semaphore, #tpu.memory_space<semaphore_mem>>) src(%dma_wait3A_135 : memref<512x1024xf32, #tpu.memory_space<any>>) dst(%dma_wait3A_132 : memref<512x1024xf32, #tpu.memory_space<vmem>>)
    %dma_start3A_136 = arith.constant 0 : i32
    %dma_start3A_137 = arith.constant 1 : i32
    %dma_start3A_138 = arith.constant 0 : i32
    %dma_start3A_139 = tpu.memref_slice %arg5[%dma_start3A_137, %dma_start3A_138] : memref<8x4x!tpu.dma_semaphore, #tpu.memory_space<semaphore_mem>> -> memref<1x1x!tpu.dma_semaphore, #tpu.memory_space<semaphore_mem>>
    %dma_start3A_140 = tpu.memref_squeeze %dma_start3A_139 : memref<1x1x!tpu.dma_semaphore, #tpu.memory_space<semaphore_mem>> -> memref<!tpu.dma_semaphore, #tpu.memory_space<semaphore_mem>>
    %dma_start3A_141 = arith.constant 512 : i32
    %dma_start3A_142 = arith.constant 0 : i32
    %dma_start3A_143 = tpu.memref_slice %arg2[%dma_start3A_136, %dma_start3A_141, %dma_start3A_142] : memref<4x8192x1024xf32, #tpu.memory_space<any>> -> memref<1x512x1024xf32, #tpu.memory_space<any>>
    %dma_start3A_144 = tpu.memref_squeeze %dma_start3A_143 : memref<1x512x1024xf32, #tpu.memory_space<any>> -> memref<512x1024xf32, #tpu.memory_space<any>>
    %dma_start3A_145 = arith.constant 512 : i32
    %dma_start3A_146 = arith.constant 0 : i32
    %dma_start3A_147 = tpu.memref_slice %arg3[%dma_start3A_145, %dma_start3A_146] : memref<4096x1024xf32, #tpu.memory_space<vmem>> -> memref<512x1024xf32, #tpu.memory_space<vmem>>
    tpu.enqueue_dma source(%dma_start3A_147 : memref<512x1024xf32, #tpu.memory_space<vmem>>) target(%dma_start3A_144 : memref<512x1024xf32, #tpu.memory_space<any>>) target_semaphore(%dma_start3A_140 : memref<!tpu.dma_semaphore, #tpu.memory_space<semaphore_mem>>)
    %dma_start3A_148 = arith.constant 1 : i32
    %dma_start3A_149 = arith.constant 1 : i32
    %dma_start3A_150 = arith.constant 1 : i32
    %dma_start3A_151 = tpu.memref_slice %arg5[%dma_start3A_149, %dma_start3A_150] : memref<8x4x!tpu.dma_semaphore, #tpu.memory_space<semaphore_mem>> -> memref<1x1x!tpu.dma_semaphore, #tpu.memory_space<semaphore_mem>>
    %dma_start3A_152 = tpu.memref_squeeze %dma_start3A_151 : memref<1x1x!tpu.dma_semaphore, #tpu.memory_space<semaphore_mem>> -> memref<!tpu.dma_semaphore, #tpu.memory_space<semaphore_mem>>
    %dma_start3A_153 = arith.constant 512 : i32
    %dma_start3A_154 = arith.constant 0 : i32
    %dma_start3A_155 = tpu.memref_slice %arg2[%dma_start3A_148, %dma_start3A_153, %dma_start3A_154] : memref<4x8192x1024xf32, #tpu.memory_space<any>> -> memref<1x512x1024xf32, #tpu.memory_space<any>>
    %dma_start3A_156 = tpu.memref_squeeze %dma_start3A_155 : memref<1x512x1024xf32, #tpu.memory_space<any>> -> memref<512x1024xf32, #tpu.memory_space<any>>
    %dma_start3A_157 = arith.constant 512 : i32
    %dma_start3A_158 = arith.constant 0 : i32
    %dma_start3A_159 = tpu.memref_slice %arg3[%dma_start3A_157, %dma_start3A_158] : memref<4096x1024xf32, #tpu.memory_space<vmem>> -> memref<512x1024xf32, #tpu.memory_space<vmem>>
    tpu.enqueue_dma source(%dma_start3A_159 : memref<512x1024xf32, #tpu.memory_space<vmem>>) target(%dma_start3A_156 : memref<512x1024xf32, #tpu.memory_space<any>>) target_semaphore(%dma_start3A_152 : memref<!tpu.dma_semaphore, #tpu.memory_space<semaphore_mem>>)
    %dma_start3A_160 = arith.constant 2 : i32
    %dma_start3A_161 = arith.constant 1 : i32
    %dma_start3A_162 = arith.constant 2 : i32
    %dma_start3A_163 = tpu.memref_slice %arg5[%dma_start3A_161, %dma_start3A_162] : memref<8x4x!tpu.dma_semaphore, #tpu.memory_space<semaphore_mem>> -> memref<1x1x!tpu.dma_semaphore, #tpu.memory_space<semaphore_mem>>
    %dma_start3A_164 = tpu.memref_squeeze %dma_start3A_163 : memref<1x1x!tpu.dma_semaphore, #tpu.memory_space<semaphore_mem>> -> memref<!tpu.dma_semaphore, #tpu.memory_space<semaphore_mem>>
    %dma_start3A_165 = arith.constant 512 : i32
    %dma_start3A_166 = arith.constant 0 : i32
    %dma_start3A_167 = tpu.memref_slice %arg2[%dma_start3A_160, %dma_start3A_165, %dma_start3A_166] : memref<4x8192x1024xf32, #tpu.memory_space<any>> -> memref<1x512x1024xf32, #tpu.memory_space<any>>
    %dma_start3A_168 = tpu.memref_squeeze %dma_start3A_167 : memref<1x512x1024xf32, #tpu.memory_space<any>> -> memref<512x1024xf32, #tpu.memory_space<any>>
    %dma_start3A_169 = arith.constant 512 : i32
    %dma_start3A_170 = arith.constant 0 : i32
    %dma_start3A_171 = tpu.memref_slice %arg3[%dma_start3A_169, %dma_start3A_170] : memref<4096x1024xf32, #tpu.memory_space<vmem>> -> memref<512x1024xf32, #tpu.memory_space<vmem>>
    tpu.enqueue_dma source(%dma_start3A_171 : memref<512x1024xf32, #tpu.memory_space<vmem>>) target(%dma_start3A_168 : memref<512x1024xf32, #tpu.memory_space<any>>) target_semaphore(%dma_start3A_164 : memref<!tpu.dma_semaphore, #tpu.memory_space<semaphore_mem>>)
    %dma_start3A_172 = arith.constant 3 : i32
    %dma_start3A_173 = arith.constant 1 : i32
    %dma_start3A_174 = arith.constant 3 : i32
    %dma_start3A_175 = tpu.memref_slice %arg5[%dma_start3A_173, %dma_start3A_174] : memref<8x4x!tpu.dma_semaphore, #tpu.memory_space<semaphore_mem>> -> memref<1x1x!tpu.dma_semaphore, #tpu.memory_space<semaphore_mem>>
    %dma_start3A_176 = tpu.memref_squeeze %dma_start3A_175 : memref<1x1x!tpu.dma_semaphore, #tpu.memory_space<semaphore_mem>> -> memref<!tpu.dma_semaphore, #tpu.memory_space<semaphore_mem>>
    %dma_start3A_177 = arith.constant 512 : i32
    %dma_start3A_178 = arith.constant 0 : i32
    %dma_start3A_179 = tpu.memref_slice %arg2[%dma_start3A_172, %dma_start3A_177, %dma_start3A_178] : memref<4x8192x1024xf32, #tpu.memory_space<any>> -> memref<1x512x1024xf32, #tpu.memory_space<any>>
    %dma_start3A_180 = tpu.memref_squeeze %dma_start3A_179 : memref<1x512x1024xf32, #tpu.memory_space<any>> -> memref<512x1024xf32, #tpu.memory_space<any>>
    %dma_start3A_181 = arith.constant 512 : i32
    %dma_start3A_182 = arith.constant 0 : i32
    %dma_start3A_183 = tpu.memref_slice %arg3[%dma_start3A_181, %dma_start3A_182] : memref<4096x1024xf32, #tpu.memory_space<vmem>> -> memref<512x1024xf32, #tpu.memory_space<vmem>>
    tpu.enqueue_dma source(%dma_start3A_183 : memref<512x1024xf32, #tpu.memory_space<vmem>>) target(%dma_start3A_180 : memref<512x1024xf32, #tpu.memory_space<any>>) target_semaphore(%dma_start3A_176 : memref<!tpu.dma_semaphore, #tpu.memory_space<semaphore_mem>>)
    %dma_wait3A_184 = arith.constant 2 : i32
    %dma_wait3A_185 = tpu.memref_slice %arg4[%dma_wait3A_184] : memref<8x!tpu.dma_semaphore, #tpu.memory_space<semaphore_mem>> -> memref<1x!tpu.dma_semaphore, #tpu.memory_space<semaphore_mem>>
    %dma_wait3A_186 = tpu.memref_squeeze %dma_wait3A_185 : memref<1x!tpu.dma_semaphore, #tpu.memory_space<semaphore_mem>> -> memref<!tpu.dma_semaphore, #tpu.memory_space<semaphore_mem>>
    %dma_wait3A_187 = arith.constant 1024 : i32
    %dma_wait3A_188 = arith.constant 0 : i32
    %dma_wait3A_189 = tpu.memref_slice %arg3[%dma_wait3A_187, %dma_wait3A_188] : memref<4096x1024xf32, #tpu.memory_space<vmem>> -> memref<512x1024xf32, #tpu.memory_space<vmem>>
    %dma_wait3A_190 = arith.constant 1024 : i32
    %dma_wait3A_191 = arith.constant 0 : i32
    %dma_wait3A_192 = tpu.memref_slice %arg0[%dma_wait3A_190, %dma_wait3A_191] : memref<8192x1024xf32, #tpu.memory_space<any>> -> memref<512x1024xf32, #tpu.memory_space<any>>
    tpu.wait_dma2 semaphore(%dma_wait3A_186 : memref<!tpu.dma_semaphore, #tpu.memory_space<semaphore_mem>>) src(%dma_wait3A_192 : memref<512x1024xf32, #tpu.memory_space<any>>) dst(%dma_wait3A_189 : memref<512x1024xf32, #tpu.memory_space<vmem>>)
    %dma_start3A_193 = arith.constant 0 : i32
    %dma_start3A_194 = arith.constant 2 : i32
    %dma_start3A_195 = arith.constant 0 : i32
    %dma_start3A_196 = tpu.memref_slice %arg5[%dma_start3A_194, %dma_start3A_195] : memref<8x4x!tpu.dma_semaphore, #tpu.memory_space<semaphore_mem>> -> memref<1x1x!tpu.dma_semaphore, #tpu.memory_space<semaphore_mem>>
    %dma_start3A_197 = tpu.memref_squeeze %dma_start3A_196 : memref<1x1x!tpu.dma_semaphore, #tpu.memory_space<semaphore_mem>> -> memref<!tpu.dma_semaphore, #tpu.memory_space<semaphore_mem>>
    %dma_start3A_198 = arith.constant 1024 : i32
    %dma_start3A_199 = arith.constant 0 : i32
    %dma_start3A_200 = tpu.memref_slice %arg2[%dma_start3A_193, %dma_start3A_198, %dma_start3A_199] : memref<4x8192x1024xf32, #tpu.memory_space<any>> -> memref<1x512x1024xf32, #tpu.memory_space<any>>
    %dma_start3A_201 = tpu.memref_squeeze %dma_start3A_200 : memref<1x512x1024xf32, #tpu.memory_space<any>> -> memref<512x1024xf32, #tpu.memory_space<any>>
    %dma_start3A_202 = arith.constant 1024 : i32
    %dma_start3A_203 = arith.constant 0 : i32
    %dma_start3A_204 = tpu.memref_slice %arg3[%dma_start3A_202, %dma_start3A_203] : memref<4096x1024xf32, #tpu.memory_space<vmem>> -> memref<512x1024xf32, #tpu.memory_space<vmem>>
    tpu.enqueue_dma source(%dma_start3A_204 : memref<512x1024xf32, #tpu.memory_space<vmem>>) target(%dma_start3A_201 : memref<512x1024xf32, #tpu.memory_space<any>>) target_semaphore(%dma_start3A_197 : memref<!tpu.dma_semaphore, #tpu.memory_space<semaphore_mem>>)
    %dma_start3A_205 = arith.constant 1 : i32
    %dma_start3A_206 = arith.constant 2 : i32
    %dma_start3A_207 = arith.constant 1 : i32
    %dma_start3A_208 = tpu.memref_slice %arg5[%dma_start3A_206, %dma_start3A_207] : memref<8x4x!tpu.dma_semaphore, #tpu.memory_space<semaphore_mem>> -> memref<1x1x!tpu.dma_semaphore, #tpu.memory_space<semaphore_mem>>
    %dma_start3A_209 = tpu.memref_squeeze %dma_start3A_208 : memref<1x1x!tpu.dma_semaphore, #tpu.memory_space<semaphore_mem>> -> memref<!tpu.dma_semaphore, #tpu.memory_space<semaphore_mem>>
    %dma_start3A_210 = arith.constant 1024 : i32
    %dma_start3A_211 = arith.constant 0 : i32
    %dma_start3A_212 = tpu.memref_slice %arg2[%dma_start3A_205, %dma_start3A_210, %dma_start3A_211] : memref<4x8192x1024xf32, #tpu.memory_space<any>> -> memref<1x512x1024xf32, #tpu.memory_space<any>>
    %dma_start3A_213 = tpu.memref_squeeze %dma_start3A_212 : memref<1x512x1024xf32, #tpu.memory_space<any>> -> memref<512x1024xf32, #tpu.memory_space<any>>
    %dma_start3A_214 = arith.constant 1024 : i32
    %dma_start3A_215 = arith.constant 0 : i32
    %dma_start3A_216 = tpu.memref_slice %arg3[%dma_start3A_214, %dma_start3A_215] : memref<4096x1024xf32, #tpu.memory_space<vmem>> -> memref<512x1024xf32, #tpu.memory_space<vmem>>
    tpu.enqueue_dma source(%dma_start3A_216 : memref<512x1024xf32, #tpu.memory_space<vmem>>) target(%dma_start3A_213 : memref<512x1024xf32, #tpu.memory_space<any>>) target_semaphore(%dma_start3A_209 : memref<!tpu.dma_semaphore, #tpu.memory_space<semaphore_mem>>)
    %dma_start3A_217 = arith.constant 2 : i32
    %dma_start3A_218 = arith.constant 2 : i32
    %dma_start3A_219 = arith.constant 2 : i32
    %dma_start3A_220 = tpu.memref_slice %arg5[%dma_start3A_218, %dma_start3A_219] : memref<8x4x!tpu.dma_semaphore, #tpu.memory_space<semaphore_mem>> -> memref<1x1x!tpu.dma_semaphore, #tpu.memory_space<semaphore_mem>>
    %dma_start3A_221 = tpu.memref_squeeze %dma_start3A_220 : memref<1x1x!tpu.dma_semaphore, #tpu.memory_space<semaphore_mem>> -> memref<!tpu.dma_semaphore, #tpu.memory_space<semaphore_mem>>
    %dma_start3A_222 = arith.constant 1024 : i32
    %dma_start3A_223 = arith.constant 0 : i32
    %dma_start3A_224 = tpu.memref_slice %arg2[%dma_start3A_217, %dma_start3A_222, %dma_start3A_223] : memref<4x8192x1024xf32, #tpu.memory_space<any>> -> memref<1x512x1024xf32, #tpu.memory_space<any>>
    %dma_start3A_225 = tpu.memref_squeeze %dma_start3A_224 : memref<1x512x1024xf32, #tpu.memory_space<any>> -> memref<512x1024xf32, #tpu.memory_space<any>>
    %dma_start3A_226 = arith.constant 1024 : i32
    %dma_start3A_227 = arith.constant 0 : i32
    %dma_start3A_228 = tpu.memref_slice %arg3[%dma_start3A_226, %dma_start3A_227] : memref<4096x1024xf32, #tpu.memory_space<vmem>> -> memref<512x1024xf32, #tpu.memory_space<vmem>>
    tpu.enqueue_dma source(%dma_start3A_228 : memref<512x1024xf32, #tpu.memory_space<vmem>>) target(%dma_start3A_225 : memref<512x1024xf32, #tpu.memory_space<any>>) target_semaphore(%dma_start3A_221 : memref<!tpu.dma_semaphore, #tpu.memory_space<semaphore_mem>>)
    %dma_start3A_229 = arith.constant 3 : i32
    %dma_start3A_230 = arith.constant 2 : i32
    %dma_start3A_231 = arith.constant 3 : i32
    %dma_start3A_232 = tpu.memref_slice %arg5[%dma_start3A_230, %dma_start3A_231] : memref<8x4x!tpu.dma_semaphore, #tpu.memory_space<semaphore_mem>> -> memref<1x1x!tpu.dma_semaphore, #tpu.memory_space<semaphore_mem>>
    %dma_start3A_233 = tpu.memref_squeeze %dma_start3A_232 : memref<1x1x!tpu.dma_semaphore, #tpu.memory_space<semaphore_mem>> -> memref<!tpu.dma_semaphore, #tpu.memory_space<semaphore_mem>>
    %dma_start3A_234 = arith.constant 1024 : i32
    %dma_start3A_235 = arith.constant 0 : i32
    %dma_start3A_236 = tpu.memref_slice %arg2[%dma_start3A_229, %dma_start3A_234, %dma_start3A_235] : memref<4x8192x1024xf32, #tpu.memory_space<any>> -> memref<1x512x1024xf32, #tpu.memory_space<any>>
    %dma_start3A_237 = tpu.memref_squeeze %dma_start3A_236 : memref<1x512x1024xf32, #tpu.memory_space<any>> -> memref<512x1024xf32, #tpu.memory_space<any>>
    %dma_start3A_238 = arith.constant 1024 : i32
    %dma_start3A_239 = arith.constant 0 : i32
    %dma_start3A_240 = tpu.memref_slice %arg3[%dma_start3A_238, %dma_start3A_239] : memref<4096x1024xf32, #tpu.memory_space<vmem>> -> memref<512x1024xf32, #tpu.memory_space<vmem>>
    tpu.enqueue_dma source(%dma_start3A_240 : memref<512x1024xf32, #tpu.memory_space<vmem>>) target(%dma_start3A_237 : memref<512x1024xf32, #tpu.memory_space<any>>) target_semaphore(%dma_start3A_233 : memref<!tpu.dma_semaphore, #tpu.memory_space<semaphore_mem>>)
    %dma_wait3A_241 = arith.constant 3 : i32
    %dma_wait3A_242 = tpu.memref_slice %arg4[%dma_wait3A_241] : memref<8x!tpu.dma_semaphore, #tpu.memory_space<semaphore_mem>> -> memref<1x!tpu.dma_semaphore, #tpu.memory_space<semaphore_mem>>
    %dma_wait3A_243 = tpu.memref_squeeze %dma_wait3A_242 : memref<1x!tpu.dma_semaphore, #tpu.memory_space<semaphore_mem>> -> memref<!tpu.dma_semaphore, #tpu.memory_space<semaphore_mem>>
    %dma_wait3A_244 = arith.constant 1536 : i32
    %dma_wait3A_245 = arith.constant 0 : i32
    %dma_wait3A_246 = tpu.memref_slice %arg3[%dma_wait3A_244, %dma_wait3A_245] : memref<4096x1024xf32, #tpu.memory_space<vmem>> -> memref<512x1024xf32, #tpu.memory_space<vmem>>
    %dma_wait3A_247 = arith.constant 1536 : i32
    %dma_wait3A_248 = arith.constant 0 : i32
    %dma_wait3A_249 = tpu.memref_slice %arg0[%dma_wait3A_247, %dma_wait3A_248] : memref<8192x1024xf32, #tpu.memory_space<any>> -> memref<512x1024xf32, #tpu.memory_space<any>>
    tpu.wait_dma2 semaphore(%dma_wait3A_243 : memref<!tpu.dma_semaphore, #tpu.memory_space<semaphore_mem>>) src(%dma_wait3A_249 : memref<512x1024xf32, #tpu.memory_space<any>>) dst(%dma_wait3A_246 : memref<512x1024xf32, #tpu.memory_space<vmem>>)
    %dma_start3A_250 = arith.constant 0 : i32
    %dma_start3A_251 = arith.constant 3 : i32
    %dma_start3A_252 = arith.constant 0 : i32
    %dma_start3A_253 = tpu.memref_slice %arg5[%dma_start3A_251, %dma_start3A_252] : memref<8x4x!tpu.dma_semaphore, #tpu.memory_space<semaphore_mem>> -> memref<1x1x!tpu.dma_semaphore, #tpu.memory_space<semaphore_mem>>
    %dma_start3A_254 = tpu.memref_squeeze %dma_start3A_253 : memref<1x1x!tpu.dma_semaphore, #tpu.memory_space<semaphore_mem>> -> memref<!tpu.dma_semaphore, #tpu.memory_space<semaphore_mem>>
    %dma_start3A_255 = arith.constant 1536 : i32
    %dma_start3A_256 = arith.constant 0 : i32
    %dma_start3A_257 = tpu.memref_slice %arg2[%dma_start3A_250, %dma_start3A_255, %dma_start3A_256] : memref<4x8192x1024xf32, #tpu.memory_space<any>> -> memref<1x512x1024xf32, #tpu.memory_space<any>>
    %dma_start3A_258 = tpu.memref_squeeze %dma_start3A_257 : memref<1x512x1024xf32, #tpu.memory_space<any>> -> memref<512x1024xf32, #tpu.memory_space<any>>
    %dma_start3A_259 = arith.constant 1536 : i32
    %dma_start3A_260 = arith.constant 0 : i32
    %dma_start3A_261 = tpu.memref_slice %arg3[%dma_start3A_259, %dma_start3A_260] : memref<4096x1024xf32, #tpu.memory_space<vmem>> -> memref<512x1024xf32, #tpu.memory_space<vmem>>
    tpu.enqueue_dma source(%dma_start3A_261 : memref<512x1024xf32, #tpu.memory_space<vmem>>) target(%dma_start3A_258 : memref<512x1024xf32, #tpu.memory_space<any>>) target_semaphore(%dma_start3A_254 : memref<!tpu.dma_semaphore, #tpu.memory_space<semaphore_mem>>)
    %dma_start3A_262 = arith.constant 1 : i32
    %dma_start3A_263 = arith.constant 3 : i32
    %dma_start3A_264 = arith.constant 1 : i32
    %dma_start3A_265 = tpu.memref_slice %arg5[%dma_start3A_263, %dma_start3A_264] : memref<8x4x!tpu.dma_semaphore, #tpu.memory_space<semaphore_mem>> -> memref<1x1x!tpu.dma_semaphore, #tpu.memory_space<semaphore_mem>>
    %dma_start3A_266 = tpu.memref_squeeze %dma_start3A_265 : memref<1x1x!tpu.dma_semaphore, #tpu.memory_space<semaphore_mem>> -> memref<!tpu.dma_semaphore, #tpu.memory_space<semaphore_mem>>
    %dma_start3A_267 = arith.constant 1536 : i32
    %dma_start3A_268 = arith.constant 0 : i32
    %dma_start3A_269 = tpu.memref_slice %arg2[%dma_start3A_262, %dma_start3A_267, %dma_start3A_268] : memref<4x8192x1024xf32, #tpu.memory_space<any>> -> memref<1x512x1024xf32, #tpu.memory_space<any>>
    %dma_start3A_270 = tpu.memref_squeeze %dma_start3A_269 : memref<1x512x1024xf32, #tpu.memory_space<any>> -> memref<512x1024xf32, #tpu.memory_space<any>>
    %dma_start3A_271 = arith.constant 1536 : i32
    %dma_start3A_272 = arith.constant 0 : i32
    %dma_start3A_273 = tpu.memref_slice %arg3[%dma_start3A_271, %dma_start3A_272] : memref<4096x1024xf32, #tpu.memory_space<vmem>> -> memref<512x1024xf32, #tpu.memory_space<vmem>>
    tpu.enqueue_dma source(%dma_start3A_273 : memref<512x1024xf32, #tpu.memory_space<vmem>>) target(%dma_start3A_270 : memref<512x1024xf32, #tpu.memory_space<any>>) target_semaphore(%dma_start3A_266 : memref<!tpu.dma_semaphore, #tpu.memory_space<semaphore_mem>>)
    %dma_start3A_274 = arith.constant 2 : i32
    %dma_start3A_275 = arith.constant 3 : i32
    %dma_start3A_276 = arith.constant 2 : i32
    %dma_start3A_277 = tpu.memref_slice %arg5[%dma_start3A_275, %dma_start3A_276] : memref<8x4x!tpu.dma_semaphore, #tpu.memory_space<semaphore_mem>> -> memref<1x1x!tpu.dma_semaphore, #tpu.memory_space<semaphore_mem>>
    %dma_start3A_278 = tpu.memref_squeeze %dma_start3A_277 : memref<1x1x!tpu.dma_semaphore, #tpu.memory_space<semaphore_mem>> -> memref<!tpu.dma_semaphore, #tpu.memory_space<semaphore_mem>>
    %dma_start3A_279 = arith.constant 1536 : i32
    %dma_start3A_280 = arith.constant 0 : i32
    %dma_start3A_281 = tpu.memref_slice %arg2[%dma_start3A_274, %dma_start3A_279, %dma_start3A_280] : memref<4x8192x1024xf32, #tpu.memory_space<any>> -> memref<1x512x1024xf32, #tpu.memory_space<any>>
    %dma_start3A_282 = tpu.memref_squeeze %dma_start3A_281 : memref<1x512x1024xf32, #tpu.memory_space<any>> -> memref<512x1024xf32, #tpu.memory_space<any>>
    %dma_start3A_283 = arith.constant 1536 : i32
    %dma_start3A_284 = arith.constant 0 : i32
    %dma_start3A_285 = tpu.memref_slice %arg3[%dma_start3A_283, %dma_start3A_284] : memref<4096x1024xf32, #tpu.memory_space<vmem>> -> memref<512x1024xf32, #tpu.memory_space<vmem>>
    tpu.enqueue_dma source(%dma_start3A_285 : memref<512x1024xf32, #tpu.memory_space<vmem>>) target(%dma_start3A_282 : memref<512x1024xf32, #tpu.memory_space<any>>) target_semaphore(%dma_start3A_278 : memref<!tpu.dma_semaphore, #tpu.memory_space<semaphore_mem>>)
    %dma_start3A_286 = arith.constant 3 : i32
    %dma_start3A_287 = arith.constant 3 : i32
    %dma_start3A_288 = arith.constant 3 : i32
    %dma_start3A_289 = tpu.memref_slice %arg5[%dma_start3A_287, %dma_start3A_288] : memref<8x4x!tpu.dma_semaphore, #tpu.memory_space<semaphore_mem>> -> memref<1x1x!tpu.dma_semaphore, #tpu.memory_space<semaphore_mem>>
    %dma_start3A_290 = tpu.memref_squeeze %dma_start3A_289 : memref<1x1x!tpu.dma_semaphore, #tpu.memory_space<semaphore_mem>> -> memref<!tpu.dma_semaphore, #tpu.memory_space<semaphore_mem>>
    %dma_start3A_291 = arith.constant 1536 : i32
    %dma_start3A_292 = arith.constant 0 : i32
    %dma_start3A_293 = tpu.memref_slice %arg2[%dma_start3A_286, %dma_start3A_291, %dma_start3A_292] : memref<4x8192x1024xf32, #tpu.memory_space<any>> -> memref<1x512x1024xf32, #tpu.memory_space<any>>
    %dma_start3A_294 = tpu.memref_squeeze %dma_start3A_293 : memref<1x512x1024xf32, #tpu.memory_space<any>> -> memref<512x1024xf32, #tpu.memory_space<any>>
    %dma_start3A_295 = arith.constant 1536 : i32
    %dma_start3A_296 = arith.constant 0 : i32
    %dma_start3A_297 = tpu.memref_slice %arg3[%dma_start3A_295, %dma_start3A_296] : memref<4096x1024xf32, #tpu.memory_space<vmem>> -> memref<512x1024xf32, #tpu.memory_space<vmem>>
    tpu.enqueue_dma source(%dma_start3A_297 : memref<512x1024xf32, #tpu.memory_space<vmem>>) target(%dma_start3A_294 : memref<512x1024xf32, #tpu.memory_space<any>>) target_semaphore(%dma_start3A_290 : memref<!tpu.dma_semaphore, #tpu.memory_space<semaphore_mem>>)
    %dma_wait3A_298 = arith.constant 4 : i32
    %dma_wait3A_299 = tpu.memref_slice %arg4[%dma_wait3A_298] : memref<8x!tpu.dma_semaphore, #tpu.memory_space<semaphore_mem>> -> memref<1x!tpu.dma_semaphore, #tpu.memory_space<semaphore_mem>>
    %dma_wait3A_300 = tpu.memref_squeeze %dma_wait3A_299 : memref<1x!tpu.dma_semaphore, #tpu.memory_space<semaphore_mem>> -> memref<!tpu.dma_semaphore, #tpu.memory_space<semaphore_mem>>
    %dma_wait3A_301 = arith.constant 2048 : i32
    %dma_wait3A_302 = arith.constant 0 : i32
    %dma_wait3A_303 = tpu.memref_slice %arg3[%dma_wait3A_301, %dma_wait3A_302] : memref<4096x1024xf32, #tpu.memory_space<vmem>> -> memref<512x1024xf32, #tpu.memory_space<vmem>>
    %dma_wait3A_304 = arith.constant 2048 : i32
    %dma_wait3A_305 = arith.constant 0 : i32
    %dma_wait3A_306 = tpu.memref_slice %arg0[%dma_wait3A_304, %dma_wait3A_305] : memref<8192x1024xf32, #tpu.memory_space<any>> -> memref<512x1024xf32, #tpu.memory_space<any>>
    tpu.wait_dma2 semaphore(%dma_wait3A_300 : memref<!tpu.dma_semaphore, #tpu.memory_space<semaphore_mem>>) src(%dma_wait3A_306 : memref<512x1024xf32, #tpu.memory_space<any>>) dst(%dma_wait3A_303 : memref<512x1024xf32, #tpu.memory_space<vmem>>)
    %dma_start3A_307 = arith.constant 0 : i32
    %dma_start3A_308 = arith.constant 4 : i32
    %dma_start3A_309 = arith.constant 0 : i32
    %dma_start3A_310 = tpu.memref_slice %arg5[%dma_start3A_308, %dma_start3A_309] : memref<8x4x!tpu.dma_semaphore, #tpu.memory_space<semaphore_mem>> -> memref<1x1x!tpu.dma_semaphore, #tpu.memory_space<semaphore_mem>>
    %dma_start3A_311 = tpu.memref_squeeze %dma_start3A_310 : memref<1x1x!tpu.dma_semaphore, #tpu.memory_space<semaphore_mem>> -> memref<!tpu.dma_semaphore, #tpu.memory_space<semaphore_mem>>
    %dma_start3A_312 = arith.constant 2048 : i32
    %dma_start3A_313 = arith.constant 0 : i32
    %dma_start3A_314 = tpu.memref_slice %arg2[%dma_start3A_307, %dma_start3A_312, %dma_start3A_313] : memref<4x8192x1024xf32, #tpu.memory_space<any>> -> memref<1x512x1024xf32, #tpu.memory_space<any>>
    %dma_start3A_315 = tpu.memref_squeeze %dma_start3A_314 : memref<1x512x1024xf32, #tpu.memory_space<any>> -> memref<512x1024xf32, #tpu.memory_space<any>>
    %dma_start3A_316 = arith.constant 2048 : i32
    %dma_start3A_317 = arith.constant 0 : i32
    %dma_start3A_318 = tpu.memref_slice %arg3[%dma_start3A_316, %dma_start3A_317] : memref<4096x1024xf32, #tpu.memory_space<vmem>> -> memref<512x1024xf32, #tpu.memory_space<vmem>>
    tpu.enqueue_dma source(%dma_start3A_318 : memref<512x1024xf32, #tpu.memory_space<vmem>>) target(%dma_start3A_315 : memref<512x1024xf32, #tpu.memory_space<any>>) target_semaphore(%dma_start3A_311 : memref<!tpu.dma_semaphore, #tpu.memory_space<semaphore_mem>>)
    %dma_start3A_319 = arith.constant 1 : i32
    %dma_start3A_320 = arith.constant 4 : i32
    %dma_start3A_321 = arith.constant 1 : i32
    %dma_start3A_322 = tpu.memref_slice %arg5[%dma_start3A_320, %dma_start3A_321] : memref<8x4x!tpu.dma_semaphore, #tpu.memory_space<semaphore_mem>> -> memref<1x1x!tpu.dma_semaphore, #tpu.memory_space<semaphore_mem>>
    %dma_start3A_323 = tpu.memref_squeeze %dma_start3A_322 : memref<1x1x!tpu.dma_semaphore, #tpu.memory_space<semaphore_mem>> -> memref<!tpu.dma_semaphore, #tpu.memory_space<semaphore_mem>>
    %dma_start3A_324 = arith.constant 2048 : i32
    %dma_start3A_325 = arith.constant 0 : i32
    %dma_start3A_326 = tpu.memref_slice %arg2[%dma_start3A_319, %dma_start3A_324, %dma_start3A_325] : memref<4x8192x1024xf32, #tpu.memory_space<any>> -> memref<1x512x1024xf32, #tpu.memory_space<any>>
    %dma_start3A_327 = tpu.memref_squeeze %dma_start3A_326 : memref<1x512x1024xf32, #tpu.memory_space<any>> -> memref<512x1024xf32, #tpu.memory_space<any>>
    %dma_start3A_328 = arith.constant 2048 : i32
    %dma_start3A_329 = arith.constant 0 : i32
    %dma_start3A_330 = tpu.memref_slice %arg3[%dma_start3A_328, %dma_start3A_329] : memref<4096x1024xf32, #tpu.memory_space<vmem>> -> memref<512x1024xf32, #tpu.memory_space<vmem>>
    tpu.enqueue_dma source(%dma_start3A_330 : memref<512x1024xf32, #tpu.memory_space<vmem>>) target(%dma_start3A_327 : memref<512x1024xf32, #tpu.memory_space<any>>) target_semaphore(%dma_start3A_323 : memref<!tpu.dma_semaphore, #tpu.memory_space<semaphore_mem>>)
    %dma_start3A_331 = arith.constant 2 : i32
    %dma_start3A_332 = arith.constant 4 : i32
    %dma_start3A_333 = arith.constant 2 : i32
    %dma_start3A_334 = tpu.memref_slice %arg5[%dma_start3A_332, %dma_start3A_333] : memref<8x4x!tpu.dma_semaphore, #tpu.memory_space<semaphore_mem>> -> memref<1x1x!tpu.dma_semaphore, #tpu.memory_space<semaphore_mem>>
    %dma_start3A_335 = tpu.memref_squeeze %dma_start3A_334 : memref<1x1x!tpu.dma_semaphore, #tpu.memory_space<semaphore_mem>> -> memref<!tpu.dma_semaphore, #tpu.memory_space<semaphore_mem>>
    %dma_start3A_336 = arith.constant 2048 : i32
    %dma_start3A_337 = arith.constant 0 : i32
    %dma_start3A_338 = tpu.memref_slice %arg2[%dma_start3A_331, %dma_start3A_336, %dma_start3A_337] : memref<4x8192x1024xf32, #tpu.memory_space<any>> -> memref<1x512x1024xf32, #tpu.memory_space<any>>
    %dma_start3A_339 = tpu.memref_squeeze %dma_start3A_338 : memref<1x512x1024xf32, #tpu.memory_space<any>> -> memref<512x1024xf32, #tpu.memory_space<any>>
    %dma_start3A_340 = arith.constant 2048 : i32
    %dma_start3A_341 = arith.constant 0 : i32
    %dma_start3A_342 = tpu.memref_slice %arg3[%dma_start3A_340, %dma_start3A_341] : memref<4096x1024xf32, #tpu.memory_space<vmem>> -> memref<512x1024xf32, #tpu.memory_space<vmem>>
    tpu.enqueue_dma source(%dma_start3A_342 : memref<512x1024xf32, #tpu.memory_space<vmem>>) target(%dma_start3A_339 : memref<512x1024xf32, #tpu.memory_space<any>>) target_semaphore(%dma_start3A_335 : memref<!tpu.dma_semaphore, #tpu.memory_space<semaphore_mem>>)
    %dma_start3A_343 = arith.constant 3 : i32
    %dma_start3A_344 = arith.constant 4 : i32
    %dma_start3A_345 = arith.constant 3 : i32
    %dma_start3A_346 = tpu.memref_slice %arg5[%dma_start3A_344, %dma_start3A_345] : memref<8x4x!tpu.dma_semaphore, #tpu.memory_space<semaphore_mem>> -> memref<1x1x!tpu.dma_semaphore, #tpu.memory_space<semaphore_mem>>
    %dma_start3A_347 = tpu.memref_squeeze %dma_start3A_346 : memref<1x1x!tpu.dma_semaphore, #tpu.memory_space<semaphore_mem>> -> memref<!tpu.dma_semaphore, #tpu.memory_space<semaphore_mem>>
    %dma_start3A_348 = arith.constant 2048 : i32
    %dma_start3A_349 = arith.constant 0 : i32
    %dma_start3A_350 = tpu.memref_slice %arg2[%dma_start3A_343, %dma_start3A_348, %dma_start3A_349] : memref<4x8192x1024xf32, #tpu.memory_space<any>> -> memref<1x512x1024xf32, #tpu.memory_space<any>>
    %dma_start3A_351 = tpu.memref_squeeze %dma_start3A_350 : memref<1x512x1024xf32, #tpu.memory_space<any>> -> memref<512x1024xf32, #tpu.memory_space<any>>
    %dma_start3A_352 = arith.constant 2048 : i32
    %dma_start3A_353 = arith.constant 0 : i32
    %dma_start3A_354 = tpu.memref_slice %arg3[%dma_start3A_352, %dma_start3A_353] : memref<4096x1024xf32, #tpu.memory_space<vmem>> -> memref<512x1024xf32, #tpu.memory_space<vmem>>
    tpu.enqueue_dma source(%dma_start3A_354 : memref<512x1024xf32, #tpu.memory_space<vmem>>) target(%dma_start3A_351 : memref<512x1024xf32, #tpu.memory_space<any>>) target_semaphore(%dma_start3A_347 : memref<!tpu.dma_semaphore, #tpu.memory_space<semaphore_mem>>)
    %dma_wait3A_355 = arith.constant 5 : i32
    %dma_wait3A_356 = tpu.memref_slice %arg4[%dma_wait3A_355] : memref<8x!tpu.dma_semaphore, #tpu.memory_space<semaphore_mem>> -> memref<1x!tpu.dma_semaphore, #tpu.memory_space<semaphore_mem>>
    %dma_wait3A_357 = tpu.memref_squeeze %dma_wait3A_356 : memref<1x!tpu.dma_semaphore, #tpu.memory_space<semaphore_mem>> -> memref<!tpu.dma_semaphore, #tpu.memory_space<semaphore_mem>>
    %dma_wait3A_358 = arith.constant 2560 : i32
    %dma_wait3A_359 = arith.constant 0 : i32
    %dma_wait3A_360 = tpu.memref_slice %arg3[%dma_wait3A_358, %dma_wait3A_359] : memref<4096x1024xf32, #tpu.memory_space<vmem>> -> memref<512x1024xf32, #tpu.memory_space<vmem>>
    %dma_wait3A_361 = arith.constant 2560 : i32
    %dma_wait3A_362 = arith.constant 0 : i32
    %dma_wait3A_363 = tpu.memref_slice %arg0[%dma_wait3A_361, %dma_wait3A_362] : memref<8192x1024xf32, #tpu.memory_space<any>> -> memref<512x1024xf32, #tpu.memory_space<any>>
    tpu.wait_dma2 semaphore(%dma_wait3A_357 : memref<!tpu.dma_semaphore, #tpu.memory_space<semaphore_mem>>) src(%dma_wait3A_363 : memref<512x1024xf32, #tpu.memory_space<any>>) dst(%dma_wait3A_360 : memref<512x1024xf32, #tpu.memory_space<vmem>>)
    %dma_start3A_364 = arith.constant 0 : i32
    %dma_start3A_365 = arith.constant 5 : i32
    %dma_start3A_366 = arith.constant 0 : i32
    %dma_start3A_367 = tpu.memref_slice %arg5[%dma_start3A_365, %dma_start3A_366] : memref<8x4x!tpu.dma_semaphore, #tpu.memory_space<semaphore_mem>> -> memref<1x1x!tpu.dma_semaphore, #tpu.memory_space<semaphore_mem>>
    %dma_start3A_368 = tpu.memref_squeeze %dma_start3A_367 : memref<1x1x!tpu.dma_semaphore, #tpu.memory_space<semaphore_mem>> -> memref<!tpu.dma_semaphore, #tpu.memory_space<semaphore_mem>>
    %dma_start3A_369 = arith.constant 2560 : i32
    %dma_start3A_370 = arith.constant 0 : i32
    %dma_start3A_371 = tpu.memref_slice %arg2[%dma_start3A_364, %dma_start3A_369, %dma_start3A_370] : memref<4x8192x1024xf32, #tpu.memory_space<any>> -> memref<1x512x1024xf32, #tpu.memory_space<any>>
    %dma_start3A_372 = tpu.memref_squeeze %dma_start3A_371 : memref<1x512x1024xf32, #tpu.memory_space<any>> -> memref<512x1024xf32, #tpu.memory_space<any>>
    %dma_start3A_373 = arith.constant 2560 : i32
    %dma_start3A_374 = arith.constant 0 : i32
    %dma_start3A_375 = tpu.memref_slice %arg3[%dma_start3A_373, %dma_start3A_374] : memref<4096x1024xf32, #tpu.memory_space<vmem>> -> memref<512x1024xf32, #tpu.memory_space<vmem>>
    tpu.enqueue_dma source(%dma_start3A_375 : memref<512x1024xf32, #tpu.memory_space<vmem>>) target(%dma_start3A_372 : memref<512x1024xf32, #tpu.memory_space<any>>) target_semaphore(%dma_start3A_368 : memref<!tpu.dma_semaphore, #tpu.memory_space<semaphore_mem>>)
    %dma_start3A_376 = arith.constant 1 : i32
    %dma_start3A_377 = arith.constant 5 : i32
    %dma_start3A_378 = arith.constant 1 : i32
    %dma_start3A_379 = tpu.memref_slice %arg5[%dma_start3A_377, %dma_start3A_378] : memref<8x4x!tpu.dma_semaphore, #tpu.memory_space<semaphore_mem>> -> memref<1x1x!tpu.dma_semaphore, #tpu.memory_space<semaphore_mem>>
    %dma_start3A_380 = tpu.memref_squeeze %dma_start3A_379 : memref<1x1x!tpu.dma_semaphore, #tpu.memory_space<semaphore_mem>> -> memref<!tpu.dma_semaphore, #tpu.memory_space<semaphore_mem>>
    %dma_start3A_381 = arith.constant 2560 : i32
    %dma_start3A_382 = arith.constant 0 : i32
    %dma_start3A_383 = tpu.memref_slice %arg2[%dma_start3A_376, %dma_start3A_381, %dma_start3A_382] : memref<4x8192x1024xf32, #tpu.memory_space<any>> -> memref<1x512x1024xf32, #tpu.memory_space<any>>
    %dma_start3A_384 = tpu.memref_squeeze %dma_start3A_383 : memref<1x512x1024xf32, #tpu.memory_space<any>> -> memref<512x1024xf32, #tpu.memory_space<any>>
    %dma_start3A_385 = arith.constant 2560 : i32
    %dma_start3A_386 = arith.constant 0 : i32
    %dma_start3A_387 = tpu.memref_slice %arg3[%dma_start3A_385, %dma_start3A_386] : memref<4096x1024xf32, #tpu.memory_space<vmem>> -> memref<512x1024xf32, #tpu.memory_space<vmem>>
    tpu.enqueue_dma source(%dma_start3A_387 : memref<512x1024xf32, #tpu.memory_space<vmem>>) target(%dma_start3A_384 : memref<512x1024xf32, #tpu.memory_space<any>>) target_semaphore(%dma_start3A_380 : memref<!tpu.dma_semaphore, #tpu.memory_space<semaphore_mem>>)
    %dma_start3A_388 = arith.constant 2 : i32
    %dma_start3A_389 = arith.constant 5 : i32
    %dma_start3A_390 = arith.constant 2 : i32
    %dma_start3A_391 = tpu.memref_slice %arg5[%dma_start3A_389, %dma_start3A_390] : memref<8x4x!tpu.dma_semaphore, #tpu.memory_space<semaphore_mem>> -> memref<1x1x!tpu.dma_semaphore, #tpu.memory_space<semaphore_mem>>
    %dma_start3A_392 = tpu.memref_squeeze %dma_start3A_391 : memref<1x1x!tpu.dma_semaphore, #tpu.memory_space<semaphore_mem>> -> memref<!tpu.dma_semaphore, #tpu.memory_space<semaphore_mem>>
    %dma_start3A_393 = arith.constant 2560 : i32
    %dma_start3A_394 = arith.constant 0 : i32
    %dma_start3A_395 = tpu.memref_slice %arg2[%dma_start3A_388, %dma_start3A_393, %dma_start3A_394] : memref<4x8192x1024xf32, #tpu.memory_space<any>> -> memref<1x512x1024xf32, #tpu.memory_space<any>>
    %dma_start3A_396 = tpu.memref_squeeze %dma_start3A_395 : memref<1x512x1024xf32, #tpu.memory_space<any>> -> memref<512x1024xf32, #tpu.memory_space<any>>
    %dma_start3A_397 = arith.constant 2560 : i32
    %dma_start3A_398 = arith.constant 0 : i32
    %dma_start3A_399 = tpu.memref_slice %arg3[%dma_start3A_397, %dma_start3A_398] : memref<4096x1024xf32, #tpu.memory_space<vmem>> -> memref<512x1024xf32, #tpu.memory_space<vmem>>
    tpu.enqueue_dma source(%dma_start3A_399 : memref<512x1024xf32, #tpu.memory_space<vmem>>) target(%dma_start3A_396 : memref<512x1024xf32, #tpu.memory_space<any>>) target_semaphore(%dma_start3A_392 : memref<!tpu.dma_semaphore, #tpu.memory_space<semaphore_mem>>)
    %dma_start3A_400 = arith.constant 3 : i32
    %dma_start3A_401 = arith.constant 5 : i32
    %dma_start3A_402 = arith.constant 3 : i32
    %dma_start3A_403 = tpu.memref_slice %arg5[%dma_start3A_401, %dma_start3A_402] : memref<8x4x!tpu.dma_semaphore, #tpu.memory_space<semaphore_mem>> -> memref<1x1x!tpu.dma_semaphore, #tpu.memory_space<semaphore_mem>>
    %dma_start3A_404 = tpu.memref_squeeze %dma_start3A_403 : memref<1x1x!tpu.dma_semaphore, #tpu.memory_space<semaphore_mem>> -> memref<!tpu.dma_semaphore, #tpu.memory_space<semaphore_mem>>
    %dma_start3A_405 = arith.constant 2560 : i32
    %dma_start3A_406 = arith.constant 0 : i32
    %dma_start3A_407 = tpu.memref_slice %arg2[%dma_start3A_400, %dma_start3A_405, %dma_start3A_406] : memref<4x8192x1024xf32, #tpu.memory_space<any>> -> memref<1x512x1024xf32, #tpu.memory_space<any>>
    %dma_start3A_408 = tpu.memref_squeeze %dma_start3A_407 : memref<1x512x1024xf32, #tpu.memory_space<any>> -> memref<512x1024xf32, #tpu.memory_space<any>>
    %dma_start3A_409 = arith.constant 2560 : i32
    %dma_start3A_410 = arith.constant 0 : i32
    %dma_start3A_411 = tpu.memref_slice %arg3[%dma_start3A_409, %dma_start3A_410] : memref<4096x1024xf32, #tpu.memory_space<vmem>> -> memref<512x1024xf32, #tpu.memory_space<vmem>>
    tpu.enqueue_dma source(%dma_start3A_411 : memref<512x1024xf32, #tpu.memory_space<vmem>>) target(%dma_start3A_408 : memref<512x1024xf32, #tpu.memory_space<any>>) target_semaphore(%dma_start3A_404 : memref<!tpu.dma_semaphore, #tpu.memory_space<semaphore_mem>>)
    %dma_wait3A_412 = arith.constant 6 : i32
    %dma_wait3A_413 = tpu.memref_slice %arg4[%dma_wait3A_412] : memref<8x!tpu.dma_semaphore, #tpu.memory_space<semaphore_mem>> -> memref<1x!tpu.dma_semaphore, #tpu.memory_space<semaphore_mem>>
    %dma_wait3A_414 = tpu.memref_squeeze %dma_wait3A_413 : memref<1x!tpu.dma_semaphore, #tpu.memory_space<semaphore_mem>> -> memref<!tpu.dma_semaphore, #tpu.memory_space<semaphore_mem>>
    %dma_wait3A_415 = arith.constant 3072 : i32
    %dma_wait3A_416 = arith.constant 0 : i32
    %dma_wait3A_417 = tpu.memref_slice %arg3[%dma_wait3A_415, %dma_wait3A_416] : memref<4096x1024xf32, #tpu.memory_space<vmem>> -> memref<512x1024xf32, #tpu.memory_space<vmem>>
    %dma_wait3A_418 = arith.constant 3072 : i32
    %dma_wait3A_419 = arith.constant 0 : i32
    %dma_wait3A_420 = tpu.memref_slice %arg0[%dma_wait3A_418, %dma_wait3A_419] : memref<8192x1024xf32, #tpu.memory_space<any>> -> memref<512x1024xf32, #tpu.memory_space<any>>
    tpu.wait_dma2 semaphore(%dma_wait3A_414 : memref<!tpu.dma_semaphore, #tpu.memory_space<semaphore_mem>>) src(%dma_wait3A_420 : memref<512x1024xf32, #tpu.memory_space<any>>) dst(%dma_wait3A_417 : memref<512x1024xf32, #tpu.memory_space<vmem>>)
    %dma_start3A_421 = arith.constant 0 : i32
    %dma_start3A_422 = arith.constant 6 : i32
    %dma_start3A_423 = arith.constant 0 : i32
    %dma_start3A_424 = tpu.memref_slice %arg5[%dma_start3A_422, %dma_start3A_423] : memref<8x4x!tpu.dma_semaphore, #tpu.memory_space<semaphore_mem>> -> memref<1x1x!tpu.dma_semaphore, #tpu.memory_space<semaphore_mem>>
    %dma_start3A_425 = tpu.memref_squeeze %dma_start3A_424 : memref<1x1x!tpu.dma_semaphore, #tpu.memory_space<semaphore_mem>> -> memref<!tpu.dma_semaphore, #tpu.memory_space<semaphore_mem>>
    %dma_start3A_426 = arith.constant 3072 : i32
    %dma_start3A_427 = arith.constant 0 : i32
    %dma_start3A_428 = tpu.memref_slice %arg2[%dma_start3A_421, %dma_start3A_426, %dma_start3A_427] : memref<4x8192x1024xf32, #tpu.memory_space<any>> -> memref<1x512x1024xf32, #tpu.memory_space<any>>
    %dma_start3A_429 = tpu.memref_squeeze %dma_start3A_428 : memref<1x512x1024xf32, #tpu.memory_space<any>> -> memref<512x1024xf32, #tpu.memory_space<any>>
    %dma_start3A_430 = arith.constant 3072 : i32
    %dma_start3A_431 = arith.constant 0 : i32
    %dma_start3A_432 = tpu.memref_slice %arg3[%dma_start3A_430, %dma_start3A_431] : memref<4096x1024xf32, #tpu.memory_space<vmem>> -> memref<512x1024xf32, #tpu.memory_space<vmem>>
    tpu.enqueue_dma source(%dma_start3A_432 : memref<512x1024xf32, #tpu.memory_space<vmem>>) target(%dma_start3A_429 : memref<512x1024xf32, #tpu.memory_space<any>>) target_semaphore(%dma_start3A_425 : memref<!tpu.dma_semaphore, #tpu.memory_space<semaphore_mem>>)
    %dma_start3A_433 = arith.constant 1 : i32
    %dma_start3A_434 = arith.constant 6 : i32
    %dma_start3A_435 = arith.constant 1 : i32
    %dma_start3A_436 = tpu.memref_slice %arg5[%dma_start3A_434, %dma_start3A_435] : memref<8x4x!tpu.dma_semaphore, #tpu.memory_space<semaphore_mem>> -> memref<1x1x!tpu.dma_semaphore, #tpu.memory_space<semaphore_mem>>
    %dma_start3A_437 = tpu.memref_squeeze %dma_start3A_436 : memref<1x1x!tpu.dma_semaphore, #tpu.memory_space<semaphore_mem>> -> memref<!tpu.dma_semaphore, #tpu.memory_space<semaphore_mem>>
    %dma_start3A_438 = arith.constant 3072 : i32
    %dma_start3A_439 = arith.constant 0 : i32
    %dma_start3A_440 = tpu.memref_slice %arg2[%dma_start3A_433, %dma_start3A_438, %dma_start3A_439] : memref<4x8192x1024xf32, #tpu.memory_space<any>> -> memref<1x512x1024xf32, #tpu.memory_space<any>>
    %dma_start3A_441 = tpu.memref_squeeze %dma_start3A_440 : memref<1x512x1024xf32, #tpu.memory_space<any>> -> memref<512x1024xf32, #tpu.memory_space<any>>
    %dma_start3A_442 = arith.constant 3072 : i32
    %dma_start3A_443 = arith.constant 0 : i32
    %dma_start3A_444 = tpu.memref_slice %arg3[%dma_start3A_442, %dma_start3A_443] : memref<4096x1024xf32, #tpu.memory_space<vmem>> -> memref<512x1024xf32, #tpu.memory_space<vmem>>
    tpu.enqueue_dma source(%dma_start3A_444 : memref<512x1024xf32, #tpu.memory_space<vmem>>) target(%dma_start3A_441 : memref<512x1024xf32, #tpu.memory_space<any>>) target_semaphore(%dma_start3A_437 : memref<!tpu.dma_semaphore, #tpu.memory_space<semaphore_mem>>)
    %dma_start3A_445 = arith.constant 2 : i32
    %dma_start3A_446 = arith.constant 6 : i32
    %dma_start3A_447 = arith.constant 2 : i32
    %dma_start3A_448 = tpu.memref_slice %arg5[%dma_start3A_446, %dma_start3A_447] : memref<8x4x!tpu.dma_semaphore, #tpu.memory_space<semaphore_mem>> -> memref<1x1x!tpu.dma_semaphore, #tpu.memory_space<semaphore_mem>>
    %dma_start3A_449 = tpu.memref_squeeze %dma_start3A_448 : memref<1x1x!tpu.dma_semaphore, #tpu.memory_space<semaphore_mem>> -> memref<!tpu.dma_semaphore, #tpu.memory_space<semaphore_mem>>
    %dma_start3A_450 = arith.constant 3072 : i32
    %dma_start3A_451 = arith.constant 0 : i32
    %dma_start3A_452 = tpu.memref_slice %arg2[%dma_start3A_445, %dma_start3A_450, %dma_start3A_451] : memref<4x8192x1024xf32, #tpu.memory_space<any>> -> memref<1x512x1024xf32, #tpu.memory_space<any>>
    %dma_start3A_453 = tpu.memref_squeeze %dma_start3A_452 : memref<1x512x1024xf32, #tpu.memory_space<any>> -> memref<512x1024xf32, #tpu.memory_space<any>>
    %dma_start3A_454 = arith.constant 3072 : i32
    %dma_start3A_455 = arith.constant 0 : i32
    %dma_start3A_456 = tpu.memref_slice %arg3[%dma_start3A_454, %dma_start3A_455] : memref<4096x1024xf32, #tpu.memory_space<vmem>> -> memref<512x1024xf32, #tpu.memory_space<vmem>>
    tpu.enqueue_dma source(%dma_start3A_456 : memref<512x1024xf32, #tpu.memory_space<vmem>>) target(%dma_start3A_453 : memref<512x1024xf32, #tpu.memory_space<any>>) target_semaphore(%dma_start3A_449 : memref<!tpu.dma_semaphore, #tpu.memory_space<semaphore_mem>>)
    %dma_start3A_457 = arith.constant 3 : i32
    %dma_start3A_458 = arith.constant 6 : i32
    %dma_start3A_459 = arith.constant 3 : i32
    %dma_start3A_460 = tpu.memref_slice %arg5[%dma_start3A_458, %dma_start3A_459] : memref<8x4x!tpu.dma_semaphore, #tpu.memory_space<semaphore_mem>> -> memref<1x1x!tpu.dma_semaphore, #tpu.memory_space<semaphore_mem>>
    %dma_start3A_461 = tpu.memref_squeeze %dma_start3A_460 : memref<1x1x!tpu.dma_semaphore, #tpu.memory_space<semaphore_mem>> -> memref<!tpu.dma_semaphore, #tpu.memory_space<semaphore_mem>>
    %dma_start3A_462 = arith.constant 3072 : i32
    %dma_start3A_463 = arith.constant 0 : i32
    %dma_start3A_464 = tpu.memref_slice %arg2[%dma_start3A_457, %dma_start3A_462, %dma_start3A_463] : memref<4x8192x1024xf32, #tpu.memory_space<any>> -> memref<1x512x1024xf32, #tpu.memory_space<any>>
    %dma_start3A_465 = tpu.memref_squeeze %dma_start3A_464 : memref<1x512x1024xf32, #tpu.memory_space<any>> -> memref<512x1024xf32, #tpu.memory_space<any>>
    %dma_start3A_466 = arith.constant 3072 : i32
    %dma_start3A_467 = arith.constant 0 : i32
    %dma_start3A_468 = tpu.memref_slice %arg3[%dma_start3A_466, %dma_start3A_467] : memref<4096x1024xf32, #tpu.memory_space<vmem>> -> memref<512x1024xf32, #tpu.memory_space<vmem>>
    tpu.enqueue_dma source(%dma_start3A_468 : memref<512x1024xf32, #tpu.memory_space<vmem>>) target(%dma_start3A_465 : memref<512x1024xf32, #tpu.memory_space<any>>) target_semaphore(%dma_start3A_461 : memref<!tpu.dma_semaphore, #tpu.memory_space<semaphore_mem>>)
    %dma_wait3A_469 = arith.constant 7 : i32
    %dma_wait3A_470 = tpu.memref_slice %arg4[%dma_wait3A_469] : memref<8x!tpu.dma_semaphore, #tpu.memory_space<semaphore_mem>> -> memref<1x!tpu.dma_semaphore, #tpu.memory_space<semaphore_mem>>
    %dma_wait3A_471 = tpu.memref_squeeze %dma_wait3A_470 : memref<1x!tpu.dma_semaphore, #tpu.memory_space<semaphore_mem>> -> memref<!tpu.dma_semaphore, #tpu.memory_space<semaphore_mem>>
    %dma_wait3A_472 = arith.constant 3584 : i32
    %dma_wait3A_473 = arith.constant 0 : i32
    %dma_wait3A_474 = tpu.memref_slice %arg3[%dma_wait3A_472, %dma_wait3A_473] : memref<4096x1024xf32, #tpu.memory_space<vmem>> -> memref<512x1024xf32, #tpu.memory_space<vmem>>
    %dma_wait3A_475 = arith.constant 3584 : i32
    %dma_wait3A_476 = arith.constant 0 : i32
    %dma_wait3A_477 = tpu.memref_slice %arg0[%dma_wait3A_475, %dma_wait3A_476] : memref<8192x1024xf32, #tpu.memory_space<any>> -> memref<512x1024xf32, #tpu.memory_space<any>>
    tpu.wait_dma2 semaphore(%dma_wait3A_471 : memref<!tpu.dma_semaphore, #tpu.memory_space<semaphore_mem>>) src(%dma_wait3A_477 : memref<512x1024xf32, #tpu.memory_space<any>>) dst(%dma_wait3A_474 : memref<512x1024xf32, #tpu.memory_space<vmem>>)
    %dma_start3A_478 = arith.constant 0 : i32
    %dma_start3A_479 = arith.constant 7 : i32
    %dma_start3A_480 = arith.constant 0 : i32
    %dma_start3A_481 = tpu.memref_slice %arg5[%dma_start3A_479, %dma_start3A_480] : memref<8x4x!tpu.dma_semaphore, #tpu.memory_space<semaphore_mem>> -> memref<1x1x!tpu.dma_semaphore, #tpu.memory_space<semaphore_mem>>
    %dma_start3A_482 = tpu.memref_squeeze %dma_start3A_481 : memref<1x1x!tpu.dma_semaphore, #tpu.memory_space<semaphore_mem>> -> memref<!tpu.dma_semaphore, #tpu.memory_space<semaphore_mem>>
    %dma_start3A_483 = arith.constant 3584 : i32
    %dma_start3A_484 = arith.constant 0 : i32
    %dma_start3A_485 = tpu.memref_slice %arg2[%dma_start3A_478, %dma_start3A_483, %dma_start3A_484] : memref<4x8192x1024xf32, #tpu.memory_space<any>> -> memref<1x512x1024xf32, #tpu.memory_space<any>>
    %dma_start3A_486 = tpu.memref_squeeze %dma_start3A_485 : memref<1x512x1024xf32, #tpu.memory_space<any>> -> memref<512x1024xf32, #tpu.memory_space<any>>
    %dma_start3A_487 = arith.constant 3584 : i32
    %dma_start3A_488 = arith.constant 0 : i32
    %dma_start3A_489 = tpu.memref_slice %arg3[%dma_start3A_487, %dma_start3A_488] : memref<4096x1024xf32, #tpu.memory_space<vmem>> -> memref<512x1024xf32, #tpu.memory_space<vmem>>
    tpu.enqueue_dma source(%dma_start3A_489 : memref<512x1024xf32, #tpu.memory_space<vmem>>) target(%dma_start3A_486 : memref<512x1024xf32, #tpu.memory_space<any>>) target_semaphore(%dma_start3A_482 : memref<!tpu.dma_semaphore, #tpu.memory_space<semaphore_mem>>)
    %dma_start3A_490 = arith.constant 1 : i32
    %dma_start3A_491 = arith.constant 7 : i32
    %dma_start3A_492 = arith.constant 1 : i32
    %dma_start3A_493 = tpu.memref_slice %arg5[%dma_start3A_491, %dma_start3A_492] : memref<8x4x!tpu.dma_semaphore, #tpu.memory_space<semaphore_mem>> -> memref<1x1x!tpu.dma_semaphore, #tpu.memory_space<semaphore_mem>>
    %dma_start3A_494 = tpu.memref_squeeze %dma_start3A_493 : memref<1x1x!tpu.dma_semaphore, #tpu.memory_space<semaphore_mem>> -> memref<!tpu.dma_semaphore, #tpu.memory_space<semaphore_mem>>
    %dma_start3A_495 = arith.constant 3584 : i32
    %dma_start3A_496 = arith.constant 0 : i32
    %dma_start3A_497 = tpu.memref_slice %arg2[%dma_start3A_490, %dma_start3A_495, %dma_start3A_496] : memref<4x8192x1024xf32, #tpu.memory_space<any>> -> memref<1x512x1024xf32, #tpu.memory_space<any>>
    %dma_start3A_498 = tpu.memref_squeeze %dma_start3A_497 : memref<1x512x1024xf32, #tpu.memory_space<any>> -> memref<512x1024xf32, #tpu.memory_space<any>>
    %dma_start3A_499 = arith.constant 3584 : i32
    %dma_start3A_500 = arith.constant 0 : i32
    %dma_start3A_501 = tpu.memref_slice %arg3[%dma_start3A_499, %dma_start3A_500] : memref<4096x1024xf32, #tpu.memory_space<vmem>> -> memref<512x1024xf32, #tpu.memory_space<vmem>>
    tpu.enqueue_dma source(%dma_start3A_501 : memref<512x1024xf32, #tpu.memory_space<vmem>>) target(%dma_start3A_498 : memref<512x1024xf32, #tpu.memory_space<any>>) target_semaphore(%dma_start3A_494 : memref<!tpu.dma_semaphore, #tpu.memory_space<semaphore_mem>>)
    %dma_start3A_502 = arith.constant 2 : i32
    %dma_start3A_503 = arith.constant 7 : i32
    %dma_start3A_504 = arith.constant 2 : i32
    %dma_start3A_505 = tpu.memref_slice %arg5[%dma_start3A_503, %dma_start3A_504] : memref<8x4x!tpu.dma_semaphore, #tpu.memory_space<semaphore_mem>> -> memref<1x1x!tpu.dma_semaphore, #tpu.memory_space<semaphore_mem>>
    %dma_start3A_506 = tpu.memref_squeeze %dma_start3A_505 : memref<1x1x!tpu.dma_semaphore, #tpu.memory_space<semaphore_mem>> -> memref<!tpu.dma_semaphore, #tpu.memory_space<semaphore_mem>>
    %dma_start3A_507 = arith.constant 3584 : i32
    %dma_start3A_508 = arith.constant 0 : i32
    %dma_start3A_509 = tpu.memref_slice %arg2[%dma_start3A_502, %dma_start3A_507, %dma_start3A_508] : memref<4x8192x1024xf32, #tpu.memory_space<any>> -> memref<1x512x1024xf32, #tpu.memory_space<any>>
    %dma_start3A_510 = tpu.memref_squeeze %dma_start3A_509 : memref<1x512x1024xf32, #tpu.memory_space<any>> -> memref<512x1024xf32, #tpu.memory_space<any>>
    %dma_start3A_511 = arith.constant 3584 : i32
    %dma_start3A_512 = arith.constant 0 : i32
    %dma_start3A_513 = tpu.memref_slice %arg3[%dma_start3A_511, %dma_start3A_512] : memref<4096x1024xf32, #tpu.memory_space<vmem>> -> memref<512x1024xf32, #tpu.memory_space<vmem>>
    tpu.enqueue_dma source(%dma_start3A_513 : memref<512x1024xf32, #tpu.memory_space<vmem>>) target(%dma_start3A_510 : memref<512x1024xf32, #tpu.memory_space<any>>) target_semaphore(%dma_start3A_506 : memref<!tpu.dma_semaphore, #tpu.memory_space<semaphore_mem>>)
    %dma_start3A_514 = arith.constant 3 : i32
    %dma_start3A_515 = arith.constant 7 : i32
    %dma_start3A_516 = arith.constant 3 : i32
    %dma_start3A_517 = tpu.memref_slice %arg5[%dma_start3A_515, %dma_start3A_516] : memref<8x4x!tpu.dma_semaphore, #tpu.memory_space<semaphore_mem>> -> memref<1x1x!tpu.dma_semaphore, #tpu.memory_space<semaphore_mem>>
    %dma_start3A_518 = tpu.memref_squeeze %dma_start3A_517 : memref<1x1x!tpu.dma_semaphore, #tpu.memory_space<semaphore_mem>> -> memref<!tpu.dma_semaphore, #tpu.memory_space<semaphore_mem>>
    %dma_start3A_519 = arith.constant 3584 : i32
    %dma_start3A_520 = arith.constant 0 : i32
    %dma_start3A_521 = tpu.memref_slice %arg2[%dma_start3A_514, %dma_start3A_519, %dma_start3A_520] : memref<4x8192x1024xf32, #tpu.memory_space<any>> -> memref<1x512x1024xf32, #tpu.memory_space<any>>
    %dma_start3A_522 = tpu.memref_squeeze %dma_start3A_521 : memref<1x512x1024xf32, #tpu.memory_space<any>> -> memref<512x1024xf32, #tpu.memory_space<any>>
    %dma_start3A_523 = arith.constant 3584 : i32
    %dma_start3A_524 = arith.constant 0 : i32
    %dma_start3A_525 = tpu.memref_slice %arg3[%dma_start3A_523, %dma_start3A_524] : memref<4096x1024xf32, #tpu.memory_space<vmem>> -> memref<512x1024xf32, #tpu.memory_space<vmem>>
    tpu.enqueue_dma source(%dma_start3A_525 : memref<512x1024xf32, #tpu.memory_space<vmem>>) target(%dma_start3A_522 : memref<512x1024xf32, #tpu.memory_space<any>>) target_semaphore(%dma_start3A_518 : memref<!tpu.dma_semaphore, #tpu.memory_space<semaphore_mem>>)
    %dma_wait3A_526 = arith.constant 0 : i32
    %dma_wait3A_527 = arith.constant 0 : i32
    %dma_wait3A_528 = arith.constant 0 : i32
    %dma_wait3A_529 = tpu.memref_slice %arg5[%dma_wait3A_527, %dma_wait3A_528] : memref<8x4x!tpu.dma_semaphore, #tpu.memory_space<semaphore_mem>> -> memref<1x1x!tpu.dma_semaphore, #tpu.memory_space<semaphore_mem>>
    %dma_wait3A_530 = tpu.memref_squeeze %dma_wait3A_529 : memref<1x1x!tpu.dma_semaphore, #tpu.memory_space<semaphore_mem>> -> memref<!tpu.dma_semaphore, #tpu.memory_space<semaphore_mem>>
    %dma_wait3A_531 = arith.constant 0 : i32
    %dma_wait3A_532 = arith.constant 0 : i32
    %dma_wait3A_533 = tpu.memref_slice %arg2[%dma_wait3A_526, %dma_wait3A_531, %dma_wait3A_532] : memref<4x8192x1024xf32, #tpu.memory_space<any>> -> memref<1x512x1024xf32, #tpu.memory_space<any>>
    %dma_wait3A_534 = tpu.memref_squeeze %dma_wait3A_533 : memref<1x512x1024xf32, #tpu.memory_space<any>> -> memref<512x1024xf32, #tpu.memory_space<any>>
    %dma_wait3A_535 = arith.constant 0 : i32
    %dma_wait3A_536 = arith.constant 0 : i32
    %dma_wait3A_537 = tpu.memref_slice %arg3[%dma_wait3A_535, %dma_wait3A_536] : memref<4096x1024xf32, #tpu.memory_space<vmem>> -> memref<512x1024xf32, #tpu.memory_space<vmem>>
    tpu.wait_dma2 semaphore(%dma_wait3A_530 : memref<!tpu.dma_semaphore, #tpu.memory_space<semaphore_mem>>) src(%dma_wait3A_537 : memref<512x1024xf32, #tpu.memory_space<vmem>>) dst(%dma_wait3A_534 : memref<512x1024xf32, #tpu.memory_space<any>>)
    %dma_wait3A_538 = arith.constant 1 : i32
    %dma_wait3A_539 = arith.constant 0 : i32
    %dma_wait3A_540 = arith.constant 1 : i32
    %dma_wait3A_541 = tpu.memref_slice %arg5[%dma_wait3A_539, %dma_wait3A_540] : memref<8x4x!tpu.dma_semaphore, #tpu.memory_space<semaphore_mem>> -> memref<1x1x!tpu.dma_semaphore, #tpu.memory_space<semaphore_mem>>
    %dma_wait3A_542 = tpu.memref_squeeze %dma_wait3A_541 : memref<1x1x!tpu.dma_semaphore, #tpu.memory_space<semaphore_mem>> -> memref<!tpu.dma_semaphore, #tpu.memory_space<semaphore_mem>>
    %dma_wait3A_543 = arith.constant 0 : i32
    %dma_wait3A_544 = arith.constant 0 : i32
    %dma_wait3A_545 = tpu.memref_slice %arg2[%dma_wait3A_538, %dma_wait3A_543, %dma_wait3A_544] : memref<4x8192x1024xf32, #tpu.memory_space<any>> -> memref<1x512x1024xf32, #tpu.memory_space<any>>
    %dma_wait3A_546 = tpu.memref_squeeze %dma_wait3A_545 : memref<1x512x1024xf32, #tpu.memory_space<any>> -> memref<512x1024xf32, #tpu.memory_space<any>>
    %dma_wait3A_547 = arith.constant 0 : i32
    %dma_wait3A_548 = arith.constant 0 : i32
    %dma_wait3A_549 = tpu.memref_slice %arg3[%dma_wait3A_547, %dma_wait3A_548] : memref<4096x1024xf32, #tpu.memory_space<vmem>> -> memref<512x1024xf32, #tpu.memory_space<vmem>>
    tpu.wait_dma2 semaphore(%dma_wait3A_542 : memref<!tpu.dma_semaphore, #tpu.memory_space<semaphore_mem>>) src(%dma_wait3A_549 : memref<512x1024xf32, #tpu.memory_space<vmem>>) dst(%dma_wait3A_546 : memref<512x1024xf32, #tpu.memory_space<any>>)
    %dma_wait3A_550 = arith.constant 2 : i32
    %dma_wait3A_551 = arith.constant 0 : i32
    %dma_wait3A_552 = arith.constant 2 : i32
    %dma_wait3A_553 = tpu.memref_slice %arg5[%dma_wait3A_551, %dma_wait3A_552] : memref<8x4x!tpu.dma_semaphore, #tpu.memory_space<semaphore_mem>> -> memref<1x1x!tpu.dma_semaphore, #tpu.memory_space<semaphore_mem>>
    %dma_wait3A_554 = tpu.memref_squeeze %dma_wait3A_553 : memref<1x1x!tpu.dma_semaphore, #tpu.memory_space<semaphore_mem>> -> memref<!tpu.dma_semaphore, #tpu.memory_space<semaphore_mem>>
    %dma_wait3A_555 = arith.constant 0 : i32
    %dma_wait3A_556 = arith.constant 0 : i32
    %dma_wait3A_557 = tpu.memref_slice %arg2[%dma_wait3A_550, %dma_wait3A_555, %dma_wait3A_556] : memref<4x8192x1024xf32, #tpu.memory_space<any>> -> memref<1x512x1024xf32, #tpu.memory_space<any>>
    %dma_wait3A_558 = tpu.memref_squeeze %dma_wait3A_557 : memref<1x512x1024xf32, #tpu.memory_space<any>> -> memref<512x1024xf32, #tpu.memory_space<any>>
    %dma_wait3A_559 = arith.constant 0 : i32
    %dma_wait3A_560 = arith.constant 0 : i32
    %dma_wait3A_561 = tpu.memref_slice %arg3[%dma_wait3A_559, %dma_wait3A_560] : memref<4096x1024xf32, #tpu.memory_space<vmem>> -> memref<512x1024xf32, #tpu.memory_space<vmem>>
    tpu.wait_dma2 semaphore(%dma_wait3A_554 : memref<!tpu.dma_semaphore, #tpu.memory_space<semaphore_mem>>) src(%dma_wait3A_561 : memref<512x1024xf32, #tpu.memory_space<vmem>>) dst(%dma_wait3A_558 : memref<512x1024xf32, #tpu.memory_space<any>>)
    %dma_wait3A_562 = arith.constant 3 : i32
    %dma_wait3A_563 = arith.constant 0 : i32
    %dma_wait3A_564 = arith.constant 3 : i32
    %dma_wait3A_565 = tpu.memref_slice %arg5[%dma_wait3A_563, %dma_wait3A_564] : memref<8x4x!tpu.dma_semaphore, #tpu.memory_space<semaphore_mem>> -> memref<1x1x!tpu.dma_semaphore, #tpu.memory_space<semaphore_mem>>
    %dma_wait3A_566 = tpu.memref_squeeze %dma_wait3A_565 : memref<1x1x!tpu.dma_semaphore, #tpu.memory_space<semaphore_mem>> -> memref<!tpu.dma_semaphore, #tpu.memory_space<semaphore_mem>>
    %dma_wait3A_567 = arith.constant 0 : i32
    %dma_wait3A_568 = arith.constant 0 : i32
    %dma_wait3A_569 = tpu.memref_slice %arg2[%dma_wait3A_562, %dma_wait3A_567, %dma_wait3A_568] : memref<4x8192x1024xf32, #tpu.memory_space<any>> -> memref<1x512x1024xf32, #tpu.memory_space<any>>
    %dma_wait3A_570 = tpu.memref_squeeze %dma_wait3A_569 : memref<1x512x1024xf32, #tpu.memory_space<any>> -> memref<512x1024xf32, #tpu.memory_space<any>>
    %dma_wait3A_571 = arith.constant 0 : i32
    %dma_wait3A_572 = arith.constant 0 : i32
    %dma_wait3A_573 = tpu.memref_slice %arg3[%dma_wait3A_571, %dma_wait3A_572] : memref<4096x1024xf32, #tpu.memory_space<vmem>> -> memref<512x1024xf32, #tpu.memory_space<vmem>>
    tpu.wait_dma2 semaphore(%dma_wait3A_566 : memref<!tpu.dma_semaphore, #tpu.memory_space<semaphore_mem>>) src(%dma_wait3A_573 : memref<512x1024xf32, #tpu.memory_space<vmem>>) dst(%dma_wait3A_570 : memref<512x1024xf32, #tpu.memory_space<any>>)
    %dma_wait3A_574 = arith.constant 0 : i32
    %dma_wait3A_575 = arith.constant 1 : i32
    %dma_wait3A_576 = arith.constant 0 : i32
    %dma_wait3A_577 = tpu.memref_slice %arg5[%dma_wait3A_575, %dma_wait3A_576] : memref<8x4x!tpu.dma_semaphore, #tpu.memory_space<semaphore_mem>> -> memref<1x1x!tpu.dma_semaphore, #tpu.memory_space<semaphore_mem>>
    %dma_wait3A_578 = tpu.memref_squeeze %dma_wait3A_577 : memref<1x1x!tpu.dma_semaphore, #tpu.memory_space<semaphore_mem>> -> memref<!tpu.dma_semaphore, #tpu.memory_space<semaphore_mem>>
    %dma_wait3A_579 = arith.constant 512 : i32
    %dma_wait3A_580 = arith.constant 0 : i32
    %dma_wait3A_581 = tpu.memref_slice %arg2[%dma_wait3A_574, %dma_wait3A_579, %dma_wait3A_580] : memref<4x8192x1024xf32, #tpu.memory_space<any>> -> memref<1x512x1024xf32, #tpu.memory_space<any>>
    %dma_wait3A_582 = tpu.memref_squeeze %dma_wait3A_581 : memref<1x512x1024xf32, #tpu.memory_space<any>> -> memref<512x1024xf32, #tpu.memory_space<any>>
    %dma_wait3A_583 = arith.constant 512 : i32
    %dma_wait3A_584 = arith.constant 0 : i32
    %dma_wait3A_585 = tpu.memref_slice %arg3[%dma_wait3A_583, %dma_wait3A_584] : memref<4096x1024xf32, #tpu.memory_space<vmem>> -> memref<512x1024xf32, #tpu.memory_space<vmem>>
    tpu.wait_dma2 semaphore(%dma_wait3A_578 : memref<!tpu.dma_semaphore, #tpu.memory_space<semaphore_mem>>) src(%dma_wait3A_585 : memref<512x1024xf32, #tpu.memory_space<vmem>>) dst(%dma_wait3A_582 : memref<512x1024xf32, #tpu.memory_space<any>>)
    %dma_wait3A_586 = arith.constant 1 : i32
    %dma_wait3A_587 = arith.constant 1 : i32
    %dma_wait3A_588 = arith.constant 1 : i32
    %dma_wait3A_589 = tpu.memref_slice %arg5[%dma_wait3A_587, %dma_wait3A_588] : memref<8x4x!tpu.dma_semaphore, #tpu.memory_space<semaphore_mem>> -> memref<1x1x!tpu.dma_semaphore, #tpu.memory_space<semaphore_mem>>
    %dma_wait3A_590 = tpu.memref_squeeze %dma_wait3A_589 : memref<1x1x!tpu.dma_semaphore, #tpu.memory_space<semaphore_mem>> -> memref<!tpu.dma_semaphore, #tpu.memory_space<semaphore_mem>>
    %dma_wait3A_591 = arith.constant 512 : i32
    %dma_wait3A_592 = arith.constant 0 : i32
    %dma_wait3A_593 = tpu.memref_slice %arg2[%dma_wait3A_586, %dma_wait3A_591, %dma_wait3A_592] : memref<4x8192x1024xf32, #tpu.memory_space<any>> -> memref<1x512x1024xf32, #tpu.memory_space<any>>
    %dma_wait3A_594 = tpu.memref_squeeze %dma_wait3A_593 : memref<1x512x1024xf32, #tpu.memory_space<any>> -> memref<512x1024xf32, #tpu.memory_space<any>>
    %dma_wait3A_595 = arith.constant 512 : i32
    %dma_wait3A_596 = arith.constant 0 : i32
    %dma_wait3A_597 = tpu.memref_slice %arg3[%dma_wait3A_595, %dma_wait3A_596] : memref<4096x1024xf32, #tpu.memory_space<vmem>> -> memref<512x1024xf32, #tpu.memory_space<vmem>>
    tpu.wait_dma2 semaphore(%dma_wait3A_590 : memref<!tpu.dma_semaphore, #tpu.memory_space<semaphore_mem>>) src(%dma_wait3A_597 : memref<512x1024xf32, #tpu.memory_space<vmem>>) dst(%dma_wait3A_594 : memref<512x1024xf32, #tpu.memory_space<any>>)
    %dma_wait3A_598 = arith.constant 2 : i32
    %dma_wait3A_599 = arith.constant 1 : i32
    %dma_wait3A_600 = arith.constant 2 : i32
    %dma_wait3A_601 = tpu.memref_slice %arg5[%dma_wait3A_599, %dma_wait3A_600] : memref<8x4x!tpu.dma_semaphore, #tpu.memory_space<semaphore_mem>> -> memref<1x1x!tpu.dma_semaphore, #tpu.memory_space<semaphore_mem>>
    %dma_wait3A_602 = tpu.memref_squeeze %dma_wait3A_601 : memref<1x1x!tpu.dma_semaphore, #tpu.memory_space<semaphore_mem>> -> memref<!tpu.dma_semaphore, #tpu.memory_space<semaphore_mem>>
    %dma_wait3A_603 = arith.constant 512 : i32
    %dma_wait3A_604 = arith.constant 0 : i32
    %dma_wait3A_605 = tpu.memref_slice %arg2[%dma_wait3A_598, %dma_wait3A_603, %dma_wait3A_604] : memref<4x8192x1024xf32, #tpu.memory_space<any>> -> memref<1x512x1024xf32, #tpu.memory_space<any>>
    %dma_wait3A_606 = tpu.memref_squeeze %dma_wait3A_605 : memref<1x512x1024xf32, #tpu.memory_space<any>> -> memref<512x1024xf32, #tpu.memory_space<any>>
    %dma_wait3A_607 = arith.constant 512 : i32
    %dma_wait3A_608 = arith.constant 0 : i32
    %dma_wait3A_609 = tpu.memref_slice %arg3[%dma_wait3A_607, %dma_wait3A_608] : memref<4096x1024xf32, #tpu.memory_space<vmem>> -> memref<512x1024xf32, #tpu.memory_space<vmem>>
    tpu.wait_dma2 semaphore(%dma_wait3A_602 : memref<!tpu.dma_semaphore, #tpu.memory_space<semaphore_mem>>) src(%dma_wait3A_609 : memref<512x1024xf32, #tpu.memory_space<vmem>>) dst(%dma_wait3A_606 : memref<512x1024xf32, #tpu.memory_space<any>>)
    %dma_wait3A_610 = arith.constant 3 : i32
    %dma_wait3A_611 = arith.constant 1 : i32
    %dma_wait3A_612 = arith.constant 3 : i32
    %dma_wait3A_613 = tpu.memref_slice %arg5[%dma_wait3A_611, %dma_wait3A_612] : memref<8x4x!tpu.dma_semaphore, #tpu.memory_space<semaphore_mem>> -> memref<1x1x!tpu.dma_semaphore, #tpu.memory_space<semaphore_mem>>
    %dma_wait3A_614 = tpu.memref_squeeze %dma_wait3A_613 : memref<1x1x!tpu.dma_semaphore, #tpu.memory_space<semaphore_mem>> -> memref<!tpu.dma_semaphore, #tpu.memory_space<semaphore_mem>>
    %dma_wait3A_615 = arith.constant 512 : i32
    %dma_wait3A_616 = arith.constant 0 : i32
    %dma_wait3A_617 = tpu.memref_slice %arg2[%dma_wait3A_610, %dma_wait3A_615, %dma_wait3A_616] : memref<4x8192x1024xf32, #tpu.memory_space<any>> -> memref<1x512x1024xf32, #tpu.memory_space<any>>
    %dma_wait3A_618 = tpu.memref_squeeze %dma_wait3A_617 : memref<1x512x1024xf32, #tpu.memory_space<any>> -> memref<512x1024xf32, #tpu.memory_space<any>>
    %dma_wait3A_619 = arith.constant 512 : i32
    %dma_wait3A_620 = arith.constant 0 : i32
    %dma_wait3A_621 = tpu.memref_slice %arg3[%dma_wait3A_619, %dma_wait3A_620] : memref<4096x1024xf32, #tpu.memory_space<vmem>> -> memref<512x1024xf32, #tpu.memory_space<vmem>>
    tpu.wait_dma2 semaphore(%dma_wait3A_614 : memref<!tpu.dma_semaphore, #tpu.memory_space<semaphore_mem>>) src(%dma_wait3A_621 : memref<512x1024xf32, #tpu.memory_space<vmem>>) dst(%dma_wait3A_618 : memref<512x1024xf32, #tpu.memory_space<any>>)
    %dma_wait3A_622 = arith.constant 0 : i32
    %dma_wait3A_623 = arith.constant 2 : i32
    %dma_wait3A_624 = arith.constant 0 : i32
    %dma_wait3A_625 = tpu.memref_slice %arg5[%dma_wait3A_623, %dma_wait3A_624] : memref<8x4x!tpu.dma_semaphore, #tpu.memory_space<semaphore_mem>> -> memref<1x1x!tpu.dma_semaphore, #tpu.memory_space<semaphore_mem>>
    %dma_wait3A_626 = tpu.memref_squeeze %dma_wait3A_625 : memref<1x1x!tpu.dma_semaphore, #tpu.memory_space<semaphore_mem>> -> memref<!tpu.dma_semaphore, #tpu.memory_space<semaphore_mem>>
    %dma_wait3A_627 = arith.constant 1024 : i32
    %dma_wait3A_628 = arith.constant 0 : i32
    %dma_wait3A_629 = tpu.memref_slice %arg2[%dma_wait3A_622, %dma_wait3A_627, %dma_wait3A_628] : memref<4x8192x1024xf32, #tpu.memory_space<any>> -> memref<1x512x1024xf32, #tpu.memory_space<any>>
    %dma_wait3A_630 = tpu.memref_squeeze %dma_wait3A_629 : memref<1x512x1024xf32, #tpu.memory_space<any>> -> memref<512x1024xf32, #tpu.memory_space<any>>
    %dma_wait3A_631 = arith.constant 1024 : i32
    %dma_wait3A_632 = arith.constant 0 : i32
    %dma_wait3A_633 = tpu.memref_slice %arg3[%dma_wait3A_631, %dma_wait3A_632] : memref<4096x1024xf32, #tpu.memory_space<vmem>> -> memref<512x1024xf32, #tpu.memory_space<vmem>>
    tpu.wait_dma2 semaphore(%dma_wait3A_626 : memref<!tpu.dma_semaphore, #tpu.memory_space<semaphore_mem>>) src(%dma_wait3A_633 : memref<512x1024xf32, #tpu.memory_space<vmem>>) dst(%dma_wait3A_630 : memref<512x1024xf32, #tpu.memory_space<any>>)
    %dma_wait3A_634 = arith.constant 1 : i32
    %dma_wait3A_635 = arith.constant 2 : i32
    %dma_wait3A_636 = arith.constant 1 : i32
    %dma_wait3A_637 = tpu.memref_slice %arg5[%dma_wait3A_635, %dma_wait3A_636] : memref<8x4x!tpu.dma_semaphore, #tpu.memory_space<semaphore_mem>> -> memref<1x1x!tpu.dma_semaphore, #tpu.memory_space<semaphore_mem>>
    %dma_wait3A_638 = tpu.memref_squeeze %dma_wait3A_637 : memref<1x1x!tpu.dma_semaphore, #tpu.memory_space<semaphore_mem>> -> memref<!tpu.dma_semaphore, #tpu.memory_space<semaphore_mem>>
    %dma_wait3A_639 = arith.constant 1024 : i32
    %dma_wait3A_640 = arith.constant 0 : i32
    %dma_wait3A_641 = tpu.memref_slice %arg2[%dma_wait3A_634, %dma_wait3A_639, %dma_wait3A_640] : memref<4x8192x1024xf32, #tpu.memory_space<any>> -> memref<1x512x1024xf32, #tpu.memory_space<any>>
    %dma_wait3A_642 = tpu.memref_squeeze %dma_wait3A_641 : memref<1x512x1024xf32, #tpu.memory_space<any>> -> memref<512x1024xf32, #tpu.memory_space<any>>
    %dma_wait3A_643 = arith.constant 1024 : i32
    %dma_wait3A_644 = arith.constant 0 : i32
    %dma_wait3A_645 = tpu.memref_slice %arg3[%dma_wait3A_643, %dma_wait3A_644] : memref<4096x1024xf32, #tpu.memory_space<vmem>> -> memref<512x1024xf32, #tpu.memory_space<vmem>>
    tpu.wait_dma2 semaphore(%dma_wait3A_638 : memref<!tpu.dma_semaphore, #tpu.memory_space<semaphore_mem>>) src(%dma_wait3A_645 : memref<512x1024xf32, #tpu.memory_space<vmem>>) dst(%dma_wait3A_642 : memref<512x1024xf32, #tpu.memory_space<any>>)
    %dma_wait3A_646 = arith.constant 2 : i32
    %dma_wait3A_647 = arith.constant 2 : i32
    %dma_wait3A_648 = arith.constant 2 : i32
    %dma_wait3A_649 = tpu.memref_slice %arg5[%dma_wait3A_647, %dma_wait3A_648] : memref<8x4x!tpu.dma_semaphore, #tpu.memory_space<semaphore_mem>> -> memref<1x1x!tpu.dma_semaphore, #tpu.memory_space<semaphore_mem>>
    %dma_wait3A_650 = tpu.memref_squeeze %dma_wait3A_649 : memref<1x1x!tpu.dma_semaphore, #tpu.memory_space<semaphore_mem>> -> memref<!tpu.dma_semaphore, #tpu.memory_space<semaphore_mem>>
    %dma_wait3A_651 = arith.constant 1024 : i32
    %dma_wait3A_652 = arith.constant 0 : i32
    %dma_wait3A_653 = tpu.memref_slice %arg2[%dma_wait3A_646, %dma_wait3A_651, %dma_wait3A_652] : memref<4x8192x1024xf32, #tpu.memory_space<any>> -> memref<1x512x1024xf32, #tpu.memory_space<any>>
    %dma_wait3A_654 = tpu.memref_squeeze %dma_wait3A_653 : memref<1x512x1024xf32, #tpu.memory_space<any>> -> memref<512x1024xf32, #tpu.memory_space<any>>
    %dma_wait3A_655 = arith.constant 1024 : i32
    %dma_wait3A_656 = arith.constant 0 : i32
    %dma_wait3A_657 = tpu.memref_slice %arg3[%dma_wait3A_655, %dma_wait3A_656] : memref<4096x1024xf32, #tpu.memory_space<vmem>> -> memref<512x1024xf32, #tpu.memory_space<vmem>>
    tpu.wait_dma2 semaphore(%dma_wait3A_650 : memref<!tpu.dma_semaphore, #tpu.memory_space<semaphore_mem>>) src(%dma_wait3A_657 : memref<512x1024xf32, #tpu.memory_space<vmem>>) dst(%dma_wait3A_654 : memref<512x1024xf32, #tpu.memory_space<any>>)
    %dma_wait3A_658 = arith.constant 3 : i32
    %dma_wait3A_659 = arith.constant 2 : i32
    %dma_wait3A_660 = arith.constant 3 : i32
    %dma_wait3A_661 = tpu.memref_slice %arg5[%dma_wait3A_659, %dma_wait3A_660] : memref<8x4x!tpu.dma_semaphore, #tpu.memory_space<semaphore_mem>> -> memref<1x1x!tpu.dma_semaphore, #tpu.memory_space<semaphore_mem>>
    %dma_wait3A_662 = tpu.memref_squeeze %dma_wait3A_661 : memref<1x1x!tpu.dma_semaphore, #tpu.memory_space<semaphore_mem>> -> memref<!tpu.dma_semaphore, #tpu.memory_space<semaphore_mem>>
    %dma_wait3A_663 = arith.constant 1024 : i32
    %dma_wait3A_664 = arith.constant 0 : i32
    %dma_wait3A_665 = tpu.memref_slice %arg2[%dma_wait3A_658, %dma_wait3A_663, %dma_wait3A_664] : memref<4x8192x1024xf32, #tpu.memory_space<any>> -> memref<1x512x1024xf32, #tpu.memory_space<any>>
    %dma_wait3A_666 = tpu.memref_squeeze %dma_wait3A_665 : memref<1x512x1024xf32, #tpu.memory_space<any>> -> memref<512x1024xf32, #tpu.memory_space<any>>
    %dma_wait3A_667 = arith.constant 1024 : i32
    %dma_wait3A_668 = arith.constant 0 : i32
    %dma_wait3A_669 = tpu.memref_slice %arg3[%dma_wait3A_667, %dma_wait3A_668] : memref<4096x1024xf32, #tpu.memory_space<vmem>> -> memref<512x1024xf32, #tpu.memory_space<vmem>>
    tpu.wait_dma2 semaphore(%dma_wait3A_662 : memref<!tpu.dma_semaphore, #tpu.memory_space<semaphore_mem>>) src(%dma_wait3A_669 : memref<512x1024xf32, #tpu.memory_space<vmem>>) dst(%dma_wait3A_666 : memref<512x1024xf32, #tpu.memory_space<any>>)
    %dma_wait3A_670 = arith.constant 0 : i32
    %dma_wait3A_671 = arith.constant 3 : i32
    %dma_wait3A_672 = arith.constant 0 : i32
    %dma_wait3A_673 = tpu.memref_slice %arg5[%dma_wait3A_671, %dma_wait3A_672] : memref<8x4x!tpu.dma_semaphore, #tpu.memory_space<semaphore_mem>> -> memref<1x1x!tpu.dma_semaphore, #tpu.memory_space<semaphore_mem>>
    %dma_wait3A_674 = tpu.memref_squeeze %dma_wait3A_673 : memref<1x1x!tpu.dma_semaphore, #tpu.memory_space<semaphore_mem>> -> memref<!tpu.dma_semaphore, #tpu.memory_space<semaphore_mem>>
    %dma_wait3A_675 = arith.constant 1536 : i32
    %dma_wait3A_676 = arith.constant 0 : i32
    %dma_wait3A_677 = tpu.memref_slice %arg2[%dma_wait3A_670, %dma_wait3A_675, %dma_wait3A_676] : memref<4x8192x1024xf32, #tpu.memory_space<any>> -> memref<1x512x1024xf32, #tpu.memory_space<any>>
    %dma_wait3A_678 = tpu.memref_squeeze %dma_wait3A_677 : memref<1x512x1024xf32, #tpu.memory_space<any>> -> memref<512x1024xf32, #tpu.memory_space<any>>
    %dma_wait3A_679 = arith.constant 1536 : i32
    %dma_wait3A_680 = arith.constant 0 : i32
    %dma_wait3A_681 = tpu.memref_slice %arg3[%dma_wait3A_679, %dma_wait3A_680] : memref<4096x1024xf32, #tpu.memory_space<vmem>> -> memref<512x1024xf32, #tpu.memory_space<vmem>>
    tpu.wait_dma2 semaphore(%dma_wait3A_674 : memref<!tpu.dma_semaphore, #tpu.memory_space<semaphore_mem>>) src(%dma_wait3A_681 : memref<512x1024xf32, #tpu.memory_space<vmem>>) dst(%dma_wait3A_678 : memref<512x1024xf32, #tpu.memory_space<any>>)
    %dma_wait3A_682 = arith.constant 1 : i32
    %dma_wait3A_683 = arith.constant 3 : i32
    %dma_wait3A_684 = arith.constant 1 : i32
    %dma_wait3A_685 = tpu.memref_slice %arg5[%dma_wait3A_683, %dma_wait3A_684] : memref<8x4x!tpu.dma_semaphore, #tpu.memory_space<semaphore_mem>> -> memref<1x1x!tpu.dma_semaphore, #tpu.memory_space<semaphore_mem>>
    %dma_wait3A_686 = tpu.memref_squeeze %dma_wait3A_685 : memref<1x1x!tpu.dma_semaphore, #tpu.memory_space<semaphore_mem>> -> memref<!tpu.dma_semaphore, #tpu.memory_space<semaphore_mem>>
    %dma_wait3A_687 = arith.constant 1536 : i32
    %dma_wait3A_688 = arith.constant 0 : i32
    %dma_wait3A_689 = tpu.memref_slice %arg2[%dma_wait3A_682, %dma_wait3A_687, %dma_wait3A_688] : memref<4x8192x1024xf32, #tpu.memory_space<any>> -> memref<1x512x1024xf32, #tpu.memory_space<any>>
    %dma_wait3A_690 = tpu.memref_squeeze %dma_wait3A_689 : memref<1x512x1024xf32, #tpu.memory_space<any>> -> memref<512x1024xf32, #tpu.memory_space<any>>
    %dma_wait3A_691 = arith.constant 1536 : i32
    %dma_wait3A_692 = arith.constant 0 : i32
    %dma_wait3A_693 = tpu.memref_slice %arg3[%dma_wait3A_691, %dma_wait3A_692] : memref<4096x1024xf32, #tpu.memory_space<vmem>> -> memref<512x1024xf32, #tpu.memory_space<vmem>>
    tpu.wait_dma2 semaphore(%dma_wait3A_686 : memref<!tpu.dma_semaphore, #tpu.memory_space<semaphore_mem>>) src(%dma_wait3A_693 : memref<512x1024xf32, #tpu.memory_space<vmem>>) dst(%dma_wait3A_690 : memref<512x1024xf32, #tpu.memory_space<any>>)
    %dma_wait3A_694 = arith.constant 2 : i32
    %dma_wait3A_695 = arith.constant 3 : i32
    %dma_wait3A_696 = arith.constant 2 : i32
    %dma_wait3A_697 = tpu.memref_slice %arg5[%dma_wait3A_695, %dma_wait3A_696] : memref<8x4x!tpu.dma_semaphore, #tpu.memory_space<semaphore_mem>> -> memref<1x1x!tpu.dma_semaphore, #tpu.memory_space<semaphore_mem>>
    %dma_wait3A_698 = tpu.memref_squeeze %dma_wait3A_697 : memref<1x1x!tpu.dma_semaphore, #tpu.memory_space<semaphore_mem>> -> memref<!tpu.dma_semaphore, #tpu.memory_space<semaphore_mem>>
    %dma_wait3A_699 = arith.constant 1536 : i32
    %dma_wait3A_700 = arith.constant 0 : i32
    %dma_wait3A_701 = tpu.memref_slice %arg2[%dma_wait3A_694, %dma_wait3A_699, %dma_wait3A_700] : memref<4x8192x1024xf32, #tpu.memory_space<any>> -> memref<1x512x1024xf32, #tpu.memory_space<any>>
    %dma_wait3A_702 = tpu.memref_squeeze %dma_wait3A_701 : memref<1x512x1024xf32, #tpu.memory_space<any>> -> memref<512x1024xf32, #tpu.memory_space<any>>
    %dma_wait3A_703 = arith.constant 1536 : i32
    %dma_wait3A_704 = arith.constant 0 : i32
    %dma_wait3A_705 = tpu.memref_slice %arg3[%dma_wait3A_703, %dma_wait3A_704] : memref<4096x1024xf32, #tpu.memory_space<vmem>> -> memref<512x1024xf32, #tpu.memory_space<vmem>>
    tpu.wait_dma2 semaphore(%dma_wait3A_698 : memref<!tpu.dma_semaphore, #tpu.memory_space<semaphore_mem>>) src(%dma_wait3A_705 : memref<512x1024xf32, #tpu.memory_space<vmem>>) dst(%dma_wait3A_702 : memref<512x1024xf32, #tpu.memory_space<any>>)
    %dma_wait3A_706 = arith.constant 3 : i32
    %dma_wait3A_707 = arith.constant 3 : i32
    %dma_wait3A_708 = arith.constant 3 : i32
    %dma_wait3A_709 = tpu.memref_slice %arg5[%dma_wait3A_707, %dma_wait3A_708] : memref<8x4x!tpu.dma_semaphore, #tpu.memory_space<semaphore_mem>> -> memref<1x1x!tpu.dma_semaphore, #tpu.memory_space<semaphore_mem>>
    %dma_wait3A_710 = tpu.memref_squeeze %dma_wait3A_709 : memref<1x1x!tpu.dma_semaphore, #tpu.memory_space<semaphore_mem>> -> memref<!tpu.dma_semaphore, #tpu.memory_space<semaphore_mem>>
    %dma_wait3A_711 = arith.constant 1536 : i32
    %dma_wait3A_712 = arith.constant 0 : i32
    %dma_wait3A_713 = tpu.memref_slice %arg2[%dma_wait3A_706, %dma_wait3A_711, %dma_wait3A_712] : memref<4x8192x1024xf32, #tpu.memory_space<any>> -> memref<1x512x1024xf32, #tpu.memory_space<any>>
    %dma_wait3A_714 = tpu.memref_squeeze %dma_wait3A_713 : memref<1x512x1024xf32, #tpu.memory_space<any>> -> memref<512x1024xf32, #tpu.memory_space<any>>
    %dma_wait3A_715 = arith.constant 1536 : i32
    %dma_wait3A_716 = arith.constant 0 : i32
    %dma_wait3A_717 = tpu.memref_slice %arg3[%dma_wait3A_715, %dma_wait3A_716] : memref<4096x1024xf32, #tpu.memory_space<vmem>> -> memref<512x1024xf32, #tpu.memory_space<vmem>>
    tpu.wait_dma2 semaphore(%dma_wait3A_710 : memref<!tpu.dma_semaphore, #tpu.memory_space<semaphore_mem>>) src(%dma_wait3A_717 : memref<512x1024xf32, #tpu.memory_space<vmem>>) dst(%dma_wait3A_714 : memref<512x1024xf32, #tpu.memory_space<any>>)
    %dma_wait3A_718 = arith.constant 0 : i32
    %dma_wait3A_719 = arith.constant 4 : i32
    %dma_wait3A_720 = arith.constant 0 : i32
    %dma_wait3A_721 = tpu.memref_slice %arg5[%dma_wait3A_719, %dma_wait3A_720] : memref<8x4x!tpu.dma_semaphore, #tpu.memory_space<semaphore_mem>> -> memref<1x1x!tpu.dma_semaphore, #tpu.memory_space<semaphore_mem>>
    %dma_wait3A_722 = tpu.memref_squeeze %dma_wait3A_721 : memref<1x1x!tpu.dma_semaphore, #tpu.memory_space<semaphore_mem>> -> memref<!tpu.dma_semaphore, #tpu.memory_space<semaphore_mem>>
    %dma_wait3A_723 = arith.constant 2048 : i32
    %dma_wait3A_724 = arith.constant 0 : i32
    %dma_wait3A_725 = tpu.memref_slice %arg2[%dma_wait3A_718, %dma_wait3A_723, %dma_wait3A_724] : memref<4x8192x1024xf32, #tpu.memory_space<any>> -> memref<1x512x1024xf32, #tpu.memory_space<any>>
    %dma_wait3A_726 = tpu.memref_squeeze %dma_wait3A_725 : memref<1x512x1024xf32, #tpu.memory_space<any>> -> memref<512x1024xf32, #tpu.memory_space<any>>
    %dma_wait3A_727 = arith.constant 2048 : i32
    %dma_wait3A_728 = arith.constant 0 : i32
    %dma_wait3A_729 = tpu.memref_slice %arg3[%dma_wait3A_727, %dma_wait3A_728] : memref<4096x1024xf32, #tpu.memory_space<vmem>> -> memref<512x1024xf32, #tpu.memory_space<vmem>>
    tpu.wait_dma2 semaphore(%dma_wait3A_722 : memref<!tpu.dma_semaphore, #tpu.memory_space<semaphore_mem>>) src(%dma_wait3A_729 : memref<512x1024xf32, #tpu.memory_space<vmem>>) dst(%dma_wait3A_726 : memref<512x1024xf32, #tpu.memory_space<any>>)
    %dma_wait3A_730 = arith.constant 1 : i32
    %dma_wait3A_731 = arith.constant 4 : i32
    %dma_wait3A_732 = arith.constant 1 : i32
    %dma_wait3A_733 = tpu.memref_slice %arg5[%dma_wait3A_731, %dma_wait3A_732] : memref<8x4x!tpu.dma_semaphore, #tpu.memory_space<semaphore_mem>> -> memref<1x1x!tpu.dma_semaphore, #tpu.memory_space<semaphore_mem>>
    %dma_wait3A_734 = tpu.memref_squeeze %dma_wait3A_733 : memref<1x1x!tpu.dma_semaphore, #tpu.memory_space<semaphore_mem>> -> memref<!tpu.dma_semaphore, #tpu.memory_space<semaphore_mem>>
    %dma_wait3A_735 = arith.constant 2048 : i32
    %dma_wait3A_736 = arith.constant 0 : i32
    %dma_wait3A_737 = tpu.memref_slice %arg2[%dma_wait3A_730, %dma_wait3A_735, %dma_wait3A_736] : memref<4x8192x1024xf32, #tpu.memory_space<any>> -> memref<1x512x1024xf32, #tpu.memory_space<any>>
    %dma_wait3A_738 = tpu.memref_squeeze %dma_wait3A_737 : memref<1x512x1024xf32, #tpu.memory_space<any>> -> memref<512x1024xf32, #tpu.memory_space<any>>
    %dma_wait3A_739 = arith.constant 2048 : i32
    %dma_wait3A_740 = arith.constant 0 : i32
    %dma_wait3A_741 = tpu.memref_slice %arg3[%dma_wait3A_739, %dma_wait3A_740] : memref<4096x1024xf32, #tpu.memory_space<vmem>> -> memref<512x1024xf32, #tpu.memory_space<vmem>>
    tpu.wait_dma2 semaphore(%dma_wait3A_734 : memref<!tpu.dma_semaphore, #tpu.memory_space<semaphore_mem>>) src(%dma_wait3A_741 : memref<512x1024xf32, #tpu.memory_space<vmem>>) dst(%dma_wait3A_738 : memref<512x1024xf32, #tpu.memory_space<any>>)
    %dma_wait3A_742 = arith.constant 2 : i32
    %dma_wait3A_743 = arith.constant 4 : i32
    %dma_wait3A_744 = arith.constant 2 : i32
    %dma_wait3A_745 = tpu.memref_slice %arg5[%dma_wait3A_743, %dma_wait3A_744] : memref<8x4x!tpu.dma_semaphore, #tpu.memory_space<semaphore_mem>> -> memref<1x1x!tpu.dma_semaphore, #tpu.memory_space<semaphore_mem>>
    %dma_wait3A_746 = tpu.memref_squeeze %dma_wait3A_745 : memref<1x1x!tpu.dma_semaphore, #tpu.memory_space<semaphore_mem>> -> memref<!tpu.dma_semaphore, #tpu.memory_space<semaphore_mem>>
    %dma_wait3A_747 = arith.constant 2048 : i32
    %dma_wait3A_748 = arith.constant 0 : i32
    %dma_wait3A_749 = tpu.memref_slice %arg2[%dma_wait3A_742, %dma_wait3A_747, %dma_wait3A_748] : memref<4x8192x1024xf32, #tpu.memory_space<any>> -> memref<1x512x1024xf32, #tpu.memory_space<any>>
    %dma_wait3A_750 = tpu.memref_squeeze %dma_wait3A_749 : memref<1x512x1024xf32, #tpu.memory_space<any>> -> memref<512x1024xf32, #tpu.memory_space<any>>
    %dma_wait3A_751 = arith.constant 2048 : i32
    %dma_wait3A_752 = arith.constant 0 : i32
    %dma_wait3A_753 = tpu.memref_slice %arg3[%dma_wait3A_751, %dma_wait3A_752] : memref<4096x1024xf32, #tpu.memory_space<vmem>> -> memref<512x1024xf32, #tpu.memory_space<vmem>>
    tpu.wait_dma2 semaphore(%dma_wait3A_746 : memref<!tpu.dma_semaphore, #tpu.memory_space<semaphore_mem>>) src(%dma_wait3A_753 : memref<512x1024xf32, #tpu.memory_space<vmem>>) dst(%dma_wait3A_750 : memref<512x1024xf32, #tpu.memory_space<any>>)
    %dma_wait3A_754 = arith.constant 3 : i32
    %dma_wait3A_755 = arith.constant 4 : i32
    %dma_wait3A_756 = arith.constant 3 : i32
    %dma_wait3A_757 = tpu.memref_slice %arg5[%dma_wait3A_755, %dma_wait3A_756] : memref<8x4x!tpu.dma_semaphore, #tpu.memory_space<semaphore_mem>> -> memref<1x1x!tpu.dma_semaphore, #tpu.memory_space<semaphore_mem>>
    %dma_wait3A_758 = tpu.memref_squeeze %dma_wait3A_757 : memref<1x1x!tpu.dma_semaphore, #tpu.memory_space<semaphore_mem>> -> memref<!tpu.dma_semaphore, #tpu.memory_space<semaphore_mem>>
    %dma_wait3A_759 = arith.constant 2048 : i32
    %dma_wait3A_760 = arith.constant 0 : i32
    %dma_wait3A_761 = tpu.memref_slice %arg2[%dma_wait3A_754, %dma_wait3A_759, %dma_wait3A_760] : memref<4x8192x1024xf32, #tpu.memory_space<any>> -> memref<1x512x1024xf32, #tpu.memory_space<any>>
    %dma_wait3A_762 = tpu.memref_squeeze %dma_wait3A_761 : memref<1x512x1024xf32, #tpu.memory_space<any>> -> memref<512x1024xf32, #tpu.memory_space<any>>
    %dma_wait3A_763 = arith.constant 2048 : i32
    %dma_wait3A_764 = arith.constant 0 : i32
    %dma_wait3A_765 = tpu.memref_slice %arg3[%dma_wait3A_763, %dma_wait3A_764] : memref<4096x1024xf32, #tpu.memory_space<vmem>> -> memref<512x1024xf32, #tpu.memory_space<vmem>>
    tpu.wait_dma2 semaphore(%dma_wait3A_758 : memref<!tpu.dma_semaphore, #tpu.memory_space<semaphore_mem>>) src(%dma_wait3A_765 : memref<512x1024xf32, #tpu.memory_space<vmem>>) dst(%dma_wait3A_762 : memref<512x1024xf32, #tpu.memory_space<any>>)
    %dma_wait3A_766 = arith.constant 0 : i32
    %dma_wait3A_767 = arith.constant 5 : i32
    %dma_wait3A_768 = arith.constant 0 : i32
    %dma_wait3A_769 = tpu.memref_slice %arg5[%dma_wait3A_767, %dma_wait3A_768] : memref<8x4x!tpu.dma_semaphore, #tpu.memory_space<semaphore_mem>> -> memref<1x1x!tpu.dma_semaphore, #tpu.memory_space<semaphore_mem>>
    %dma_wait3A_770 = tpu.memref_squeeze %dma_wait3A_769 : memref<1x1x!tpu.dma_semaphore, #tpu.memory_space<semaphore_mem>> -> memref<!tpu.dma_semaphore, #tpu.memory_space<semaphore_mem>>
    %dma_wait3A_771 = arith.constant 2560 : i32
    %dma_wait3A_772 = arith.constant 0 : i32
    %dma_wait3A_773 = tpu.memref_slice %arg2[%dma_wait3A_766, %dma_wait3A_771, %dma_wait3A_772] : memref<4x8192x1024xf32, #tpu.memory_space<any>> -> memref<1x512x1024xf32, #tpu.memory_space<any>>
    %dma_wait3A_774 = tpu.memref_squeeze %dma_wait3A_773 : memref<1x512x1024xf32, #tpu.memory_space<any>> -> memref<512x1024xf32, #tpu.memory_space<any>>
    %dma_wait3A_775 = arith.constant 2560 : i32
    %dma_wait3A_776 = arith.constant 0 : i32
    %dma_wait3A_777 = tpu.memref_slice %arg3[%dma_wait3A_775, %dma_wait3A_776] : memref<4096x1024xf32, #tpu.memory_space<vmem>> -> memref<512x1024xf32, #tpu.memory_space<vmem>>
    tpu.wait_dma2 semaphore(%dma_wait3A_770 : memref<!tpu.dma_semaphore, #tpu.memory_space<semaphore_mem>>) src(%dma_wait3A_777 : memref<512x1024xf32, #tpu.memory_space<vmem>>) dst(%dma_wait3A_774 : memref<512x1024xf32, #tpu.memory_space<any>>)
    %dma_wait3A_778 = arith.constant 1 : i32
    %dma_wait3A_779 = arith.constant 5 : i32
    %dma_wait3A_780 = arith.constant 1 : i32
    %dma_wait3A_781 = tpu.memref_slice %arg5[%dma_wait3A_779, %dma_wait3A_780] : memref<8x4x!tpu.dma_semaphore, #tpu.memory_space<semaphore_mem>> -> memref<1x1x!tpu.dma_semaphore, #tpu.memory_space<semaphore_mem>>
    %dma_wait3A_782 = tpu.memref_squeeze %dma_wait3A_781 : memref<1x1x!tpu.dma_semaphore, #tpu.memory_space<semaphore_mem>> -> memref<!tpu.dma_semaphore, #tpu.memory_space<semaphore_mem>>
    %dma_wait3A_783 = arith.constant 2560 : i32
    %dma_wait3A_784 = arith.constant 0 : i32
    %dma_wait3A_785 = tpu.memref_slice %arg2[%dma_wait3A_778, %dma_wait3A_783, %dma_wait3A_784] : memref<4x8192x1024xf32, #tpu.memory_space<any>> -> memref<1x512x1024xf32, #tpu.memory_space<any>>
    %dma_wait3A_786 = tpu.memref_squeeze %dma_wait3A_785 : memref<1x512x1024xf32, #tpu.memory_space<any>> -> memref<512x1024xf32, #tpu.memory_space<any>>
    %dma_wait3A_787 = arith.constant 2560 : i32
    %dma_wait3A_788 = arith.constant 0 : i32
    %dma_wait3A_789 = tpu.memref_slice %arg3[%dma_wait3A_787, %dma_wait3A_788] : memref<4096x1024xf32, #tpu.memory_space<vmem>> -> memref<512x1024xf32, #tpu.memory_space<vmem>>
    tpu.wait_dma2 semaphore(%dma_wait3A_782 : memref<!tpu.dma_semaphore, #tpu.memory_space<semaphore_mem>>) src(%dma_wait3A_789 : memref<512x1024xf32, #tpu.memory_space<vmem>>) dst(%dma_wait3A_786 : memref<512x1024xf32, #tpu.memory_space<any>>)
    %dma_wait3A_790 = arith.constant 2 : i32
    %dma_wait3A_791 = arith.constant 5 : i32
    %dma_wait3A_792 = arith.constant 2 : i32
    %dma_wait3A_793 = tpu.memref_slice %arg5[%dma_wait3A_791, %dma_wait3A_792] : memref<8x4x!tpu.dma_semaphore, #tpu.memory_space<semaphore_mem>> -> memref<1x1x!tpu.dma_semaphore, #tpu.memory_space<semaphore_mem>>
    %dma_wait3A_794 = tpu.memref_squeeze %dma_wait3A_793 : memref<1x1x!tpu.dma_semaphore, #tpu.memory_space<semaphore_mem>> -> memref<!tpu.dma_semaphore, #tpu.memory_space<semaphore_mem>>
    %dma_wait3A_795 = arith.constant 2560 : i32
    %dma_wait3A_796 = arith.constant 0 : i32
    %dma_wait3A_797 = tpu.memref_slice %arg2[%dma_wait3A_790, %dma_wait3A_795, %dma_wait3A_796] : memref<4x8192x1024xf32, #tpu.memory_space<any>> -> memref<1x512x1024xf32, #tpu.memory_space<any>>
    %dma_wait3A_798 = tpu.memref_squeeze %dma_wait3A_797 : memref<1x512x1024xf32, #tpu.memory_space<any>> -> memref<512x1024xf32, #tpu.memory_space<any>>
    %dma_wait3A_799 = arith.constant 2560 : i32
    %dma_wait3A_800 = arith.constant 0 : i32
    %dma_wait3A_801 = tpu.memref_slice %arg3[%dma_wait3A_799, %dma_wait3A_800] : memref<4096x1024xf32, #tpu.memory_space<vmem>> -> memref<512x1024xf32, #tpu.memory_space<vmem>>
    tpu.wait_dma2 semaphore(%dma_wait3A_794 : memref<!tpu.dma_semaphore, #tpu.memory_space<semaphore_mem>>) src(%dma_wait3A_801 : memref<512x1024xf32, #tpu.memory_space<vmem>>) dst(%dma_wait3A_798 : memref<512x1024xf32, #tpu.memory_space<any>>)
    %dma_wait3A_802 = arith.constant 3 : i32
    %dma_wait3A_803 = arith.constant 5 : i32
    %dma_wait3A_804 = arith.constant 3 : i32
    %dma_wait3A_805 = tpu.memref_slice %arg5[%dma_wait3A_803, %dma_wait3A_804] : memref<8x4x!tpu.dma_semaphore, #tpu.memory_space<semaphore_mem>> -> memref<1x1x!tpu.dma_semaphore, #tpu.memory_space<semaphore_mem>>
    %dma_wait3A_806 = tpu.memref_squeeze %dma_wait3A_805 : memref<1x1x!tpu.dma_semaphore, #tpu.memory_space<semaphore_mem>> -> memref<!tpu.dma_semaphore, #tpu.memory_space<semaphore_mem>>
    %dma_wait3A_807 = arith.constant 2560 : i32
    %dma_wait3A_808 = arith.constant 0 : i32
    %dma_wait3A_809 = tpu.memref_slice %arg2[%dma_wait3A_802, %dma_wait3A_807, %dma_wait3A_808] : memref<4x8192x1024xf32, #tpu.memory_space<any>> -> memref<1x512x1024xf32, #tpu.memory_space<any>>
    %dma_wait3A_810 = tpu.memref_squeeze %dma_wait3A_809 : memref<1x512x1024xf32, #tpu.memory_space<any>> -> memref<512x1024xf32, #tpu.memory_space<any>>
    %dma_wait3A_811 = arith.constant 2560 : i32
    %dma_wait3A_812 = arith.constant 0 : i32
    %dma_wait3A_813 = tpu.memref_slice %arg3[%dma_wait3A_811, %dma_wait3A_812] : memref<4096x1024xf32, #tpu.memory_space<vmem>> -> memref<512x1024xf32, #tpu.memory_space<vmem>>
    tpu.wait_dma2 semaphore(%dma_wait3A_806 : memref<!tpu.dma_semaphore, #tpu.memory_space<semaphore_mem>>) src(%dma_wait3A_813 : memref<512x1024xf32, #tpu.memory_space<vmem>>) dst(%dma_wait3A_810 : memref<512x1024xf32, #tpu.memory_space<any>>)
    %dma_wait3A_814 = arith.constant 0 : i32
    %dma_wait3A_815 = arith.constant 6 : i32
    %dma_wait3A_816 = arith.constant 0 : i32
    %dma_wait3A_817 = tpu.memref_slice %arg5[%dma_wait3A_815, %dma_wait3A_816] : memref<8x4x!tpu.dma_semaphore, #tpu.memory_space<semaphore_mem>> -> memref<1x1x!tpu.dma_semaphore, #tpu.memory_space<semaphore_mem>>
    %dma_wait3A_818 = tpu.memref_squeeze %dma_wait3A_817 : memref<1x1x!tpu.dma_semaphore, #tpu.memory_space<semaphore_mem>> -> memref<!tpu.dma_semaphore, #tpu.memory_space<semaphore_mem>>
    %dma_wait3A_819 = arith.constant 3072 : i32
    %dma_wait3A_820 = arith.constant 0 : i32
    %dma_wait3A_821 = tpu.memref_slice %arg2[%dma_wait3A_814, %dma_wait3A_819, %dma_wait3A_820] : memref<4x8192x1024xf32, #tpu.memory_space<any>> -> memref<1x512x1024xf32, #tpu.memory_space<any>>
    %dma_wait3A_822 = tpu.memref_squeeze %dma_wait3A_821 : memref<1x512x1024xf32, #tpu.memory_space<any>> -> memref<512x1024xf32, #tpu.memory_space<any>>
    %dma_wait3A_823 = arith.constant 3072 : i32
    %dma_wait3A_824 = arith.constant 0 : i32
    %dma_wait3A_825 = tpu.memref_slice %arg3[%dma_wait3A_823, %dma_wait3A_824] : memref<4096x1024xf32, #tpu.memory_space<vmem>> -> memref<512x1024xf32, #tpu.memory_space<vmem>>
    tpu.wait_dma2 semaphore(%dma_wait3A_818 : memref<!tpu.dma_semaphore, #tpu.memory_space<semaphore_mem>>) src(%dma_wait3A_825 : memref<512x1024xf32, #tpu.memory_space<vmem>>) dst(%dma_wait3A_822 : memref<512x1024xf32, #tpu.memory_space<any>>)
    %dma_wait3A_826 = arith.constant 1 : i32
    %dma_wait3A_827 = arith.constant 6 : i32
    %dma_wait3A_828 = arith.constant 1 : i32
    %dma_wait3A_829 = tpu.memref_slice %arg5[%dma_wait3A_827, %dma_wait3A_828] : memref<8x4x!tpu.dma_semaphore, #tpu.memory_space<semaphore_mem>> -> memref<1x1x!tpu.dma_semaphore, #tpu.memory_space<semaphore_mem>>
    %dma_wait3A_830 = tpu.memref_squeeze %dma_wait3A_829 : memref<1x1x!tpu.dma_semaphore, #tpu.memory_space<semaphore_mem>> -> memref<!tpu.dma_semaphore, #tpu.memory_space<semaphore_mem>>
    %dma_wait3A_831 = arith.constant 3072 : i32
    %dma_wait3A_832 = arith.constant 0 : i32
    %dma_wait3A_833 = tpu.memref_slice %arg2[%dma_wait3A_826, %dma_wait3A_831, %dma_wait3A_832] : memref<4x8192x1024xf32, #tpu.memory_space<any>> -> memref<1x512x1024xf32, #tpu.memory_space<any>>
    %dma_wait3A_834 = tpu.memref_squeeze %dma_wait3A_833 : memref<1x512x1024xf32, #tpu.memory_space<any>> -> memref<512x1024xf32, #tpu.memory_space<any>>
    %dma_wait3A_835 = arith.constant 3072 : i32
    %dma_wait3A_836 = arith.constant 0 : i32
    %dma_wait3A_837 = tpu.memref_slice %arg3[%dma_wait3A_835, %dma_wait3A_836] : memref<4096x1024xf32, #tpu.memory_space<vmem>> -> memref<512x1024xf32, #tpu.memory_space<vmem>>
    tpu.wait_dma2 semaphore(%dma_wait3A_830 : memref<!tpu.dma_semaphore, #tpu.memory_space<semaphore_mem>>) src(%dma_wait3A_837 : memref<512x1024xf32, #tpu.memory_space<vmem>>) dst(%dma_wait3A_834 : memref<512x1024xf32, #tpu.memory_space<any>>)
    %dma_wait3A_838 = arith.constant 2 : i32
    %dma_wait3A_839 = arith.constant 6 : i32
    %dma_wait3A_840 = arith.constant 2 : i32
    %dma_wait3A_841 = tpu.memref_slice %arg5[%dma_wait3A_839, %dma_wait3A_840] : memref<8x4x!tpu.dma_semaphore, #tpu.memory_space<semaphore_mem>> -> memref<1x1x!tpu.dma_semaphore, #tpu.memory_space<semaphore_mem>>
    %dma_wait3A_842 = tpu.memref_squeeze %dma_wait3A_841 : memref<1x1x!tpu.dma_semaphore, #tpu.memory_space<semaphore_mem>> -> memref<!tpu.dma_semaphore, #tpu.memory_space<semaphore_mem>>
    %dma_wait3A_843 = arith.constant 3072 : i32
    %dma_wait3A_844 = arith.constant 0 : i32
    %dma_wait3A_845 = tpu.memref_slice %arg2[%dma_wait3A_838, %dma_wait3A_843, %dma_wait3A_844] : memref<4x8192x1024xf32, #tpu.memory_space<any>> -> memref<1x512x1024xf32, #tpu.memory_space<any>>
    %dma_wait3A_846 = tpu.memref_squeeze %dma_wait3A_845 : memref<1x512x1024xf32, #tpu.memory_space<any>> -> memref<512x1024xf32, #tpu.memory_space<any>>
    %dma_wait3A_847 = arith.constant 3072 : i32
    %dma_wait3A_848 = arith.constant 0 : i32
    %dma_wait3A_849 = tpu.memref_slice %arg3[%dma_wait3A_847, %dma_wait3A_848] : memref<4096x1024xf32, #tpu.memory_space<vmem>> -> memref<512x1024xf32, #tpu.memory_space<vmem>>
    tpu.wait_dma2 semaphore(%dma_wait3A_842 : memref<!tpu.dma_semaphore, #tpu.memory_space<semaphore_mem>>) src(%dma_wait3A_849 : memref<512x1024xf32, #tpu.memory_space<vmem>>) dst(%dma_wait3A_846 : memref<512x1024xf32, #tpu.memory_space<any>>)
    %dma_wait3A_850 = arith.constant 3 : i32
    %dma_wait3A_851 = arith.constant 6 : i32
    %dma_wait3A_852 = arith.constant 3 : i32
    %dma_wait3A_853 = tpu.memref_slice %arg5[%dma_wait3A_851, %dma_wait3A_852] : memref<8x4x!tpu.dma_semaphore, #tpu.memory_space<semaphore_mem>> -> memref<1x1x!tpu.dma_semaphore, #tpu.memory_space<semaphore_mem>>
    %dma_wait3A_854 = tpu.memref_squeeze %dma_wait3A_853 : memref<1x1x!tpu.dma_semaphore, #tpu.memory_space<semaphore_mem>> -> memref<!tpu.dma_semaphore, #tpu.memory_space<semaphore_mem>>
    %dma_wait3A_855 = arith.constant 3072 : i32
    %dma_wait3A_856 = arith.constant 0 : i32
    %dma_wait3A_857 = tpu.memref_slice %arg2[%dma_wait3A_850, %dma_wait3A_855, %dma_wait3A_856] : memref<4x8192x1024xf32, #tpu.memory_space<any>> -> memref<1x512x1024xf32, #tpu.memory_space<any>>
    %dma_wait3A_858 = tpu.memref_squeeze %dma_wait3A_857 : memref<1x512x1024xf32, #tpu.memory_space<any>> -> memref<512x1024xf32, #tpu.memory_space<any>>
    %dma_wait3A_859 = arith.constant 3072 : i32
    %dma_wait3A_860 = arith.constant 0 : i32
    %dma_wait3A_861 = tpu.memref_slice %arg3[%dma_wait3A_859, %dma_wait3A_860] : memref<4096x1024xf32, #tpu.memory_space<vmem>> -> memref<512x1024xf32, #tpu.memory_space<vmem>>
    tpu.wait_dma2 semaphore(%dma_wait3A_854 : memref<!tpu.dma_semaphore, #tpu.memory_space<semaphore_mem>>) src(%dma_wait3A_861 : memref<512x1024xf32, #tpu.memory_space<vmem>>) dst(%dma_wait3A_858 : memref<512x1024xf32, #tpu.memory_space<any>>)
    %dma_wait3A_862 = arith.constant 0 : i32
    %dma_wait3A_863 = arith.constant 7 : i32
    %dma_wait3A_864 = arith.constant 0 : i32
    %dma_wait3A_865 = tpu.memref_slice %arg5[%dma_wait3A_863, %dma_wait3A_864] : memref<8x4x!tpu.dma_semaphore, #tpu.memory_space<semaphore_mem>> -> memref<1x1x!tpu.dma_semaphore, #tpu.memory_space<semaphore_mem>>
    %dma_wait3A_866 = tpu.memref_squeeze %dma_wait3A_865 : memref<1x1x!tpu.dma_semaphore, #tpu.memory_space<semaphore_mem>> -> memref<!tpu.dma_semaphore, #tpu.memory_space<semaphore_mem>>
    %dma_wait3A_867 = arith.constant 3584 : i32
    %dma_wait3A_868 = arith.constant 0 : i32
    %dma_wait3A_869 = tpu.memref_slice %arg2[%dma_wait3A_862, %dma_wait3A_867, %dma_wait3A_868] : memref<4x8192x1024xf32, #tpu.memory_space<any>> -> memref<1x512x1024xf32, #tpu.memory_space<any>>
    %dma_wait3A_870 = tpu.memref_squeeze %dma_wait3A_869 : memref<1x512x1024xf32, #tpu.memory_space<any>> -> memref<512x1024xf32, #tpu.memory_space<any>>
    %dma_wait3A_871 = arith.constant 3584 : i32
    %dma_wait3A_872 = arith.constant 0 : i32
    %dma_wait3A_873 = tpu.memref_slice %arg3[%dma_wait3A_871, %dma_wait3A_872] : memref<4096x1024xf32, #tpu.memory_space<vmem>> -> memref<512x1024xf32, #tpu.memory_space<vmem>>
    tpu.wait_dma2 semaphore(%dma_wait3A_866 : memref<!tpu.dma_semaphore, #tpu.memory_space<semaphore_mem>>) src(%dma_wait3A_873 : memref<512x1024xf32, #tpu.memory_space<vmem>>) dst(%dma_wait3A_870 : memref<512x1024xf32, #tpu.memory_space<any>>)
    %dma_wait3A_874 = arith.constant 1 : i32
    %dma_wait3A_875 = arith.constant 7 : i32
    %dma_wait3A_876 = arith.constant 1 : i32
    %dma_wait3A_877 = tpu.memref_slice %arg5[%dma_wait3A_875, %dma_wait3A_876] : memref<8x4x!tpu.dma_semaphore, #tpu.memory_space<semaphore_mem>> -> memref<1x1x!tpu.dma_semaphore, #tpu.memory_space<semaphore_mem>>
    %dma_wait3A_878 = tpu.memref_squeeze %dma_wait3A_877 : memref<1x1x!tpu.dma_semaphore, #tpu.memory_space<semaphore_mem>> -> memref<!tpu.dma_semaphore, #tpu.memory_space<semaphore_mem>>
    %dma_wait3A_879 = arith.constant 3584 : i32
    %dma_wait3A_880 = arith.constant 0 : i32
    %dma_wait3A_881 = tpu.memref_slice %arg2[%dma_wait3A_874, %dma_wait3A_879, %dma_wait3A_880] : memref<4x8192x1024xf32, #tpu.memory_space<any>> -> memref<1x512x1024xf32, #tpu.memory_space<any>>
    %dma_wait3A_882 = tpu.memref_squeeze %dma_wait3A_881 : memref<1x512x1024xf32, #tpu.memory_space<any>> -> memref<512x1024xf32, #tpu.memory_space<any>>
    %dma_wait3A_883 = arith.constant 3584 : i32
    %dma_wait3A_884 = arith.constant 0 : i32
    %dma_wait3A_885 = tpu.memref_slice %arg3[%dma_wait3A_883, %dma_wait3A_884] : memref<4096x1024xf32, #tpu.memory_space<vmem>> -> memref<512x1024xf32, #tpu.memory_space<vmem>>
    tpu.wait_dma2 semaphore(%dma_wait3A_878 : memref<!tpu.dma_semaphore, #tpu.memory_space<semaphore_mem>>) src(%dma_wait3A_885 : memref<512x1024xf32, #tpu.memory_space<vmem>>) dst(%dma_wait3A_882 : memref<512x1024xf32, #tpu.memory_space<any>>)
    %dma_wait3A_886 = arith.constant 2 : i32
    %dma_wait3A_887 = arith.constant 7 : i32
    %dma_wait3A_888 = arith.constant 2 : i32
    %dma_wait3A_889 = tpu.memref_slice %arg5[%dma_wait3A_887, %dma_wait3A_888] : memref<8x4x!tpu.dma_semaphore, #tpu.memory_space<semaphore_mem>> -> memref<1x1x!tpu.dma_semaphore, #tpu.memory_space<semaphore_mem>>
    %dma_wait3A_890 = tpu.memref_squeeze %dma_wait3A_889 : memref<1x1x!tpu.dma_semaphore, #tpu.memory_space<semaphore_mem>> -> memref<!tpu.dma_semaphore, #tpu.memory_space<semaphore_mem>>
    %dma_wait3A_891 = arith.constant 3584 : i32
    %dma_wait3A_892 = arith.constant 0 : i32
    %dma_wait3A_893 = tpu.memref_slice %arg2[%dma_wait3A_886, %dma_wait3A_891, %dma_wait3A_892] : memref<4x8192x1024xf32, #tpu.memory_space<any>> -> memref<1x512x1024xf32, #tpu.memory_space<any>>
    %dma_wait3A_894 = tpu.memref_squeeze %dma_wait3A_893 : memref<1x512x1024xf32, #tpu.memory_space<any>> -> memref<512x1024xf32, #tpu.memory_space<any>>
    %dma_wait3A_895 = arith.constant 3584 : i32
    %dma_wait3A_896 = arith.constant 0 : i32
    %dma_wait3A_897 = tpu.memref_slice %arg3[%dma_wait3A_895, %dma_wait3A_896] : memref<4096x1024xf32, #tpu.memory_space<vmem>> -> memref<512x1024xf32, #tpu.memory_space<vmem>>
    tpu.wait_dma2 semaphore(%dma_wait3A_890 : memref<!tpu.dma_semaphore, #tpu.memory_space<semaphore_mem>>) src(%dma_wait3A_897 : memref<512x1024xf32, #tpu.memory_space<vmem>>) dst(%dma_wait3A_894 : memref<512x1024xf32, #tpu.memory_space<any>>)
    %dma_wait3A_898 = arith.constant 3 : i32
    %dma_wait3A_899 = arith.constant 7 : i32
    %dma_wait3A_900 = arith.constant 3 : i32
    %dma_wait3A_901 = tpu.memref_slice %arg5[%dma_wait3A_899, %dma_wait3A_900] : memref<8x4x!tpu.dma_semaphore, #tpu.memory_space<semaphore_mem>> -> memref<1x1x!tpu.dma_semaphore, #tpu.memory_space<semaphore_mem>>
    %dma_wait3A_902 = tpu.memref_squeeze %dma_wait3A_901 : memref<1x1x!tpu.dma_semaphore, #tpu.memory_space<semaphore_mem>> -> memref<!tpu.dma_semaphore, #tpu.memory_space<semaphore_mem>>
    %dma_wait3A_903 = arith.constant 3584 : i32
    %dma_wait3A_904 = arith.constant 0 : i32
    %dma_wait3A_905 = tpu.memref_slice %arg2[%dma_wait3A_898, %dma_wait3A_903, %dma_wait3A_904] : memref<4x8192x1024xf32, #tpu.memory_space<any>> -> memref<1x512x1024xf32, #tpu.memory_space<any>>
    %dma_wait3A_906 = tpu.memref_squeeze %dma_wait3A_905 : memref<1x512x1024xf32, #tpu.memory_space<any>> -> memref<512x1024xf32, #tpu.memory_space<any>>
    %dma_wait3A_907 = arith.constant 3584 : i32
    %dma_wait3A_908 = arith.constant 0 : i32
    %dma_wait3A_909 = tpu.memref_slice %arg3[%dma_wait3A_907, %dma_wait3A_908] : memref<4096x1024xf32, #tpu.memory_space<vmem>> -> memref<512x1024xf32, #tpu.memory_space<vmem>>
    tpu.wait_dma2 semaphore(%dma_wait3A_902 : memref<!tpu.dma_semaphore, #tpu.memory_space<semaphore_mem>>) src(%dma_wait3A_909 : memref<512x1024xf32, #tpu.memory_space<vmem>>) dst(%dma_wait3A_906 : memref<512x1024xf32, #tpu.memory_space<any>>)
    return
  }
}

</mosaic_0001>

<sc_bundles>
// kernel: kernel.4.cloned.1.call-start
scs
__scs_entry_jumppad:
0x0: {  	(pc) =	sbr.rel $0x88, $3  }
0x1: {  	(tag) =	ssettag $0x0;
	lr =	simm.s32 $0x1  }
0x2: {  	[smem:$0x3FA0] =	sst lr;
	_ =	strace $0xD0000000  }
0x3: {  	_ = 	snop  }
0x4: {  	_ = 	snop  }
0x5: {  	_ = 	snop  }
0x6: {  	_ = 	snop  }
0x7: {  	_ = 	snop  }
__scs_overlays_trampoline_lowered:
0x8: {  	[smem:$0x3FAF] =	sst s0  }
0x9: {  	[smem:$0x3FB0] =	sst s1  }
0xa: {  	[smem:$0x3FB1] =	sst s2  }
0xb: {  	[smem:$0x3FB2] =	sst s3  }
0xc: {  	[smem:$0x3FB3] =	sst s4  }
0xd: {  	[smem:$0x3FB4] =	sst s5  }
0xe: {  	[smem:$0x3FB5] =	sst s6  }
0xf: {  	[smem:$0x3FB6] =	sst s7  }
0x10: {  	[smem:$0x3FB7] =	sst s8  }
0x11: {  	[smem:$0x3FB8] =	sst s9;
	s0 =	simm.s32 @!p0 $0x0  }
0x12: {  	s1 =	sld [smem:$0x3F9E];
	s0 =	simm.s32 @p0 $0x1  }
0x13: {  	[smem:$0x3FB9] =	sst s0;
	s0 =	simm.s32 @!p1 $0x0  }
0x14: {  	s2 =	sld [smem:$0x3F9D];
	s0 =	simm.s32 @p1 $0x1  }
0x15: {  	[smem:$0x3FBA] =	sst s0;
	s0 =	simm.s32 @!p2 $0x0  }
0x16: {  	s3 =	sld [smem:$0x3FDB];
	s0 =	simm.s32 @p2 $0x1  }
0x17: {  	s4 =	simm.s32 $0x1BF5;
	[smem:$0x3FBC] =	sst s0  }
0x18: {  	s0 =	sld [smem:$0x3F9F];
	_ =	swait.ge [sflag:s4], $0x0  }
0x19: {  	s7 =	sld [smem:$0x3FA0]  }
0x1a: {  	s8 =	sadd.s32 $0xFFFFE003, lr  }
0x1b: {  	s9 =	sadd.s32 $0xFFFFFEF7, lr;
	s5 =	simm.s32 $0xFFFFFFFF;
	p2 =	slt.u32 s8, $0xFFFFF086  }
0x1c: {  	p1 =	slt.u32 s9, $0xF7A;
	s5 =	simm.s32 @!p2 $0x0  }
0x1d: {  	s5 =	simm.s32 @p1 $0x1;
	p0 =	seq.s32 s7, s2  }
0x1e: {  	s7 =	smul.u32 @!p0 $0xF7A, s2;
	p2 =	seq.s32 @!p0 s5, $0x0  }
0x1f: {  	s9 =	smul.u32 $0xF7A, s1;
	s8 =	simm.s32 @!p0 $0x1BF5;
	p2 =	por !p2, p0  }
0x20: {  	[sflag:s8] =	ssyncset.s32 @!p0 $0xFFFFF086;
	s6 =	sadd.s32 @!p0 s3, s7;
	s7 =	simm.s32 @!p0 $0x108  }
0x21: {  	s3 =	sadd.s32 s3, s9;
	s6 =	sadd.s32 @!p0 $0x88, s6;
	s7 =	simm.s32 @p2 $0x1082  }
0x22: {  	[simem:s7], [sflag:s8] =	dma.local @!p0 [hbm:s6], $0xF7A  }
0x23: {  	s9 =	sor.u32 $0xD0000000, s2;
	s6 =	simm.s32 $0x108;
	_ =	swait.ge @!p0 [sflag:s8], $0x0  }
0x24: {  	s3 =	sadd.s32 $0x88, s3;
	s6 =	simm.s32 @!p1 $0x1082;
	[sflag:s4] =	ssyncset.s32 $0xFFFFF086  }
0x25: {  	[simem:s6], [sflag:s4] =	dma.local [hbm:s3], $0xF7A  }
0x26: {  	[smem:$0x3FA0] =	sst s1;
	(tag) =	ssettag s2;
	_ =	strace s9  }
0x27: {  	s1 =	sld [smem:$0x3FB0]  }
0x28: {  	s2 =	sld [smem:$0x3FB1]  }
0x29: {  	s4 =	sld [smem:$0x3FB3]  }
0x2a: {  	p0 =	seq.s32 s5, $0x0;
	s5 =	sld [smem:$0x3FB4]  }
0x2b: {  	s6 =	sld [smem:$0x3FB5]  }
0x2c: {  	s7 =	sld [smem:$0x3FB6]  }
0x2d: {  	s3 =	simm.s32 $0x108;
	s8 =	sld [smem:$0x3FB7]  }
0x2e: {  	s3 =	simm.s32 @!p0 $0x1082;
	s9 =	sld [smem:$0x3FB8]  }
0x2f: {  	lr =	sadd.s32 s0, s3;
	s0 =	sld [smem:$0x3FAF]  }
0x30: {  	s3 =	sld [smem:$0x3FB2]  }
0x31: {  	[smem:$0x3FBB] =	sst s10  }
0x32: {  	s10 =	sld [smem:$0x3FB9];
	_ =	sdelay $0x3  }
0x33: {  	p0 =	seq.s32 s10, $0x1;
	s10 =	sld [smem:$0x3FBB];
	_ =	sdelay $0x3  }
0x34: {  	[smem:$0x3FBB] =	sst s10  }
0x35: {  	s10 =	sld [smem:$0x3FBA];
	_ =	sdelay $0x3  }
0x36: {  	p1 =	seq.s32 s10, $0x1;
	s10 =	sld [smem:$0x3FBB];
	_ =	sdelay $0x3  }
0x37: {  	[smem:$0x3FBB] =	sst s10  }
0x38: {  	s10 =	sld [smem:$0x3FBC]  }
0x39: {  	_ = 	snop;
	(pc) =	sbr.ind lr, $3  }
0x3a: {  	_ = 	snop  }
0x3b: {  	_ = 	snop  }
0x3c: {  	p2 =	seq.s32 s10, $0x1;
	s10 =	sld [smem:$0x3FBB]  }
0x3d: {  	_ =	shalt  }
0x3e: {  	_ =	shalt  }
0x3f: {  	_ =	shalt  }
0x40: {  	_ =	shalt  }
0x41: {  	_ =	shalt  }
0x42: {  	_ =	shalt  }
0x43: {  	_ =	shalt  }
0x44: {  	_ =	shalt  }
0x45: {  	_ =	shalt  }
0x46: {  	_ =	shalt  }
0x47: {  	_ =	shalt  }
0x48: {  	_ =	shalt  }
0x49: {  	_ =	shalt  }
0x4a: {  	_ =	shalt  }
0x4b: {  	_ =	shalt  }
0x4c: {  	_ =	shalt  }
0x4d: {  	_ =	shalt  }
0x4e: {  	_ =	shalt  }
0x4f: {  	_ =	shalt  }
0x50: {  	_ =	shalt  }
0x51: {  	_ =	shalt  }
0x52: {  	_ =	shalt  }
0x53: {  	_ =	shalt  }
0x54: {  	_ =	shalt  }
0x55: {  	_ =	shalt  }
0x56: {  	_ =	shalt  }
0x57: {  	_ =	shalt  }
0x58: {  	_ =	shalt  }
0x59: {  	_ =	shalt  }
0x5a: {  	_ =	shalt  }
0x5b: {  	_ =	shalt  }
0x5c: {  	_ =	shalt  }
0x5d: {  	_ =	shalt  }
0x5e: {  	_ =	shalt  }
0x5f: {  	_ =	shalt  }
0x60: {  	_ =	shalt  }
0x61: {  	_ =	shalt  }
0x62: {  	_ =	shalt  }
0x63: {  	_ =	shalt  }
0x64: {  	_ =	shalt  }
0x65: {  	_ =	shalt  }
0x66: {  	_ =	shalt  }
0x67: {  	_ =	shalt  }
0x68: {  	_ =	shalt  }
0x69: {  	_ =	shalt  }
0x6a: {  	_ =	shalt  }
0x6b: {  	_ =	shalt  }
0x6c: {  	_ =	shalt  }
0x6d: {  	_ =	shalt  }
0x6e: {  	_ =	shalt  }
0x6f: {  	_ =	shalt  }
0x70: {  	_ =	shalt  }
0x71: {  	_ =	shalt  }
0x72: {  	_ =	shalt  }
0x73: {  	_ =	shalt  }
0x74: {  	_ =	shalt  }
0x75: {  	_ =	shalt  }
0x76: {  	_ =	shalt  }
0x77: {  	_ =	shalt  }
0x78: {  	_ =	shalt  }
0x79: {  	_ =	shalt  }
0x7a: {  	_ =	shalt  }
0x7b: {  	_ =	shalt  }
0x7c: {  	_ =	shalt  }
0x7d: {  	_ =	shalt  }
0x7e: {  	_ =	shalt  }
0x7f: {  	_ =	shalt  }
0x80: {  	_ =	shalt  }
0x81: {  	_ =	shalt  }
0x82: {  	_ =	shalt  }
0x83: {  	_ =	shalt  }
0x84: {  	_ =	shalt  }
0x85: {  	_ =	shalt  }
0x86: {  	_ =	shalt  }
0x87: {  	_ =	shalt  }
.Lfunc_end0:
.L_simem_size_0:
called_computation_lowered:
.L_overlay_start_0:
0x88: {  	s2 =	sld [smem:$0x3FD9]  }
0x89: {  	s3 =	sld [smem:$0x3FFE];
	_ =	sdelay $0x1  }
0x8a: {  	s1 =	srdreg.scid  }
0x8b: {  	s0 =	sand.u32 $0x1, s1  }
0x8c: {  	s9 =	sshll.u32 s0, $0xA;
	s2 =	sadd.s32 s3, s2  }
0x8d: {  	s2 =	sadd.s32 s2, s9  }
0x8e: {  	s3 =	simm.s32 $0x0;
	[smem:$0x3FC7] =	sst s2  }
0x8f: {  	[smem:$0xF] =	sst s3  }
0x90: {  	s5 =	sld [smem:$0x3FC9]  }
0x91: {  	s2 =	sld [smem:$0x3FD0];
	(tm) =	ssettm $0x1  }
0x92: {  	s4 =	sld [smem:$0x3FFB];
	_ =	sdelay $0x3  }
0x93: {  	_ =	strace s4  }
0x94: {  	s4 =	sld [smem:$0x3FFC];
	_ =	sdelay $0x3  }
0x95: {  	_ =	strace s4  }
0x96: {  	s4 =	sld [smem:$0x3FFD];
	_ =	sdelay $0x3  }
0x97: {  	_ =	strace s4  }
0x98: {  	s10 =	simm.s32 $0x1B8B;
	_ =	strace $0x8FFFFFFF  }
0x99: {  	_ =	swait.ge [sflag:s10], $0x1  }
0x9a: {  	[sflag:s10] =	ssyncset.done $0x0  }
0x9b: {  	s11 =	simm.s32 $0x1B8E;
	[sflag:s10] =	ssyncadd.s32 $0xFFFFFFFF;
	s10 =	sshll.u32 s0, $0x12  }
0x9c: {  	[smem:$0x3FD2] =	sst s11;
	s6 =	sor.u32 $0x80000, s10  }
0x9d: {  	s11 =	simm.s32 $0x9;
	_ =	strace $0x80000046;
	s12 =	sadd.s32 s6, s5  }
0x9e: {  	[spmem:s3], [sflag:s11] =	dma.local [hbm:s12], $0x8000  }
0x9f: {  	_ =	swait.ge [sflag:s11], $0x8000  }
0xa0: {  	s8 =	simm.s32 $0xA;
	s9 =	sor.u32 $0x88000, s10;
	[sflag:s11] =	ssyncset.done $0x0  }
0xa1: {  	s4 =	simm.s32 $0x8000;
	s7 =	sadd.s32 s9, s5;
	[sflag:s11] =	ssyncadd.s32 $0xFFFF8000  }
0xa2: {  	[spmem:s4], [sflag:s8] =	dma.local [hbm:s7], $0x8000  }
0xa3: {  	s6 =	sadd.s32 s6, s2;
	s7 =	simm.s32 $0xB  }
0xa4: {  	[hbm:s6], [sflag:s7] =	dma.local [spmem:s3], $0x8000  }
0xa5: {  	s6 =	sadd.s32 s10, s2  }
0xa6: {  	s12 =	sadd.s32 $0x180000, s6;
	s13 =	sadd.s32 $0x280000, s6;
	s14 =	sadd.s32 $0x380000, s6  }
0xa7: {  	[hbm:s12], [sflag:s7] =	dma.local [spmem:s3], $0x8000  }
0xa8: {  	[hbm:s13], [sflag:s7] =	dma.local [spmem:s3], $0x8000  }
0xa9: {  	[hbm:s14], [sflag:s7] =	dma.local [spmem:s3], $0x8000  }
0xaa: {  	_ =	swait.ge [sflag:s8], $0x8000  }
0xab: {  	[sflag:s8] =	ssyncset.done $0x0  }
0xac: {  	[sflag:s8] =	ssyncadd.s32 $0xFFFF8000;
	_ =	sdelay $0x2  }
0xad: {  	_ =	swait.ge [sflag:s7], $0x8000  }
0xae: {  	[sflag:s7] =	ssyncset.done $0x0  }
0xaf: {  	[sflag:s7] =	ssyncadd.s32 $0xFFFF8000;
	_ =	sdelay $0x2  }
0xb0: {  	_ =	swait.ge [sflag:s7], $0x8000  }
0xb1: {  	[sflag:s7] =	ssyncset.done $0x0  }
0xb2: {  	[sflag:s7] =	ssyncadd.s32 $0xFFFF8000;
	_ =	sdelay $0x2  }
0xb3: {  	_ =	swait.ge [sflag:s7], $0x8000  }
0xb4: {  	[sflag:s7] =	ssyncset.done $0x0  }
0xb5: {  	[sflag:s7] =	ssyncadd.s32 $0xFFFF8000;
	_ =	sdelay $0x1  }
0xb6: {  	s15 =	sor.u32 $0x90000, s10  }
0xb7: {  	s16 =	sadd.s32 s9, s2;
	s9 =	simm.s32 $0xC;
	_ =	swait.ge [sflag:s7], $0x8000  }
0xb8: {  	s17 =	sadd.s32 $0x188000, s6;
	s18 =	sadd.s32 $0x288000, s6;
	[sflag:s7] =	ssyncset.done $0x0  }
0xb9: {  	s19 =	sadd.s32 $0x388000, s6;
	s13 =	sadd.s32 s15, s5;
	[sflag:s7] =	ssyncadd.s32 $0xFFFF8000  }
0xba: {  	[spmem:s3], [sflag:s11] =	dma.local [hbm:s13], $0x8000  }
0xbb: {  	[hbm:s16], [sflag:s9] =	dma.local [spmem:s4], $0x8000  }
0xbc: {  	[hbm:s17], [sflag:s9] =	dma.local [spmem:s4], $0x8000  }
0xbd: {  	[hbm:s18], [sflag:s9] =	dma.local [spmem:s4], $0x8000  }
0xbe: {  	[hbm:s19], [sflag:s9] =	dma.local [spmem:s4], $0x8000  }
0xbf: {  	_ =	swait.ge [sflag:s11], $0x8000  }
0xc0: {  	[sflag:s11] =	ssyncset.done $0x0  }
0xc1: {  	[sflag:s11] =	ssyncadd.s32 $0xFFFF8000;
	_ =	sdelay $0x2  }
0xc2: {  	_ =	swait.ge [sflag:s9], $0x8000  }
0xc3: {  	[sflag:s9] =	ssyncset.done $0x0  }
0xc4: {  	[sflag:s9] =	ssyncadd.s32 $0xFFFF8000;
	_ =	sdelay $0x2  }
0xc5: {  	_ =	swait.ge [sflag:s9], $0x8000  }
0xc6: {  	[sflag:s9] =	ssyncset.done $0x0  }
0xc7: {  	[sflag:s9] =	ssyncadd.s32 $0xFFFF8000;
	_ =	sdelay $0x2  }
0xc8: {  	_ =	swait.ge [sflag:s9], $0x8000  }
0xc9: {  	[sflag:s9] =	ssyncset.done $0x0  }
0xca: {  	[sflag:s9] =	ssyncadd.s32 $0xFFFF8000;
	_ =	sdelay $0x2  }
0xcb: {  	s20 =	sor.u32 $0x98000, s10;
	s21 =	sadd.s32 $0x190000, s6;
	_ =	swait.ge [sflag:s9], $0x8000  }
0xcc: {  	s22 =	sadd.s32 $0x290000, s6;
	s23 =	sadd.s32 $0x390000, s6;
	[sflag:s9] =	ssyncset.done $0x0  }
0xcd: {  	s12 =	sadd.s32 s15, s2;
	s14 =	sadd.s32 s20, s5;
	[sflag:s9] =	ssyncadd.s32 $0xFFFF8000  }
0xce: {  	[spmem:s4], [sflag:s8] =	dma.local [hbm:s14], $0x8000  }
0xcf: {  	[hbm:s12], [sflag:s7] =	dma.local [spmem:s3], $0x8000  }
0xd0: {  	[hbm:s21], [sflag:s7] =	dma.local [spmem:s3], $0x8000  }
0xd1: {  	[hbm:s22], [sflag:s7] =	dma.local [spmem:s3], $0x8000  }
0xd2: {  	[hbm:s23], [sflag:s7] =	dma.local [spmem:s3], $0x8000  }
0xd3: {  	_ =	swait.ge [sflag:s8], $0x8000  }
0xd4: {  	[sflag:s8] =	ssyncset.done $0x0  }
0xd5: {  	[sflag:s8] =	ssyncadd.s32 $0xFFFF8000;
	_ =	sdelay $0x2  }
0xd6: {  	_ =	swait.ge [sflag:s7], $0x8000  }
0xd7: {  	[sflag:s7] =	ssyncset.done $0x0  }
0xd8: {  	[sflag:s7] =	ssyncadd.s32 $0xFFFF8000;
	_ =	sdelay $0x2  }
0xd9: {  	_ =	swait.ge [sflag:s7], $0x8000  }
0xda: {  	[sflag:s7] =	ssyncset.done $0x0  }
0xdb: {  	[sflag:s7] =	ssyncadd.s32 $0xFFFF8000;
	_ =	sdelay $0x2  }
0xdc: {  	_ =	swait.ge [sflag:s7], $0x8000  }
0xdd: {  	[sflag:s7] =	ssyncset.done $0x0  }
0xde: {  	[sflag:s7] =	ssyncadd.s32 $0xFFFF8000;
	_ =	sdelay $0x1  }
0xdf: {  	s24 =	sor.u32 $0xA0000, s10  }
0xe0: {  	s25 =	sadd.s32 s24, s5;
	_ =	swait.ge [sflag:s7], $0x8000  }
0xe1: {  	s26 =	sadd.s32 $0x198000, s6;
	s28 =	sadd.s32 $0x298000, s6;
	[sflag:s7] =	ssyncset.done $0x0  }
0xe2: {  	s29 =	sadd.s32 $0x398000, s6;
	s13 =	sadd.s32 s20, s2;
	[sflag:s7] =	ssyncadd.s32 $0xFFFF8000  }
0xe3: {  	[spmem:s3], [sflag:s11] =	dma.local [hbm:s25], $0x8000  }
0xe4: {  	[hbm:s13], [sflag:s9] =	dma.local [spmem:s4], $0x8000  }
0xe5: {  	[hbm:s26], [sflag:s9] =	dma.local [spmem:s4], $0x8000  }
0xe6: {  	[hbm:s28], [sflag:s9] =	dma.local [spmem:s4], $0x8000  }
0xe7: {  	[hbm:s29], [sflag:s9] =	dma.local [spmem:s4], $0x8000  }
0xe8: {  	_ =	swait.ge [sflag:s11], $0x8000  }
0xe9: {  	[sflag:s11] =	ssyncset.done $0x0  }
0xea: {  	[sflag:s11] =	ssyncadd.s32 $0xFFFF8000;
	_ =	sdelay $0x2  }
0xeb: {  	_ =	swait.ge [sflag:s9], $0x8000  }
0xec: {  	[sflag:s9] =	ssyncset.done $0x0  }
0xed: {  	[sflag:s9] =	ssyncadd.s32 $0xFFFF8000;
	_ =	sdelay $0x2  }
0xee: {  	_ =	swait.ge [sflag:s9], $0x8000  }
0xef: {  	[sflag:s9] =	ssyncset.done $0x0  }
0xf0: {  	[sflag:s9] =	ssyncadd.s32 $0xFFFF8000;
	_ =	sdelay $0x2  }
0xf1: {  	_ =	swait.ge [sflag:s9], $0x8000  }
0xf2: {  	[sflag:s9] =	ssyncset.done $0x0  }
0xf3: {  	[sflag:s9] =	ssyncadd.s32 $0xFFFF8000;
	_ =	sdelay $0x1  }
0xf4: {  	s30 =	sor.u32 $0xA8000, s10  }
0xf5: {  	s31 =	sadd.s32 s30, s5;
	_ =	swait.ge [sflag:s9], $0x8000  }
0xf6: {  	s15 =	sadd.s32 $0x2A0000, s6;
	s16 =	sadd.s32 $0x3A0000, s6;
	[sflag:s9] =	ssyncset.done $0x0  }
0xf7: {  	s14 =	sadd.s32 $0x1A0000, s6;
	s12 =	sadd.s32 s24, s2;
	[sflag:s9] =	ssyncadd.s32 $0xFFFF8000  }
0xf8: {  	[spmem:s4], [sflag:s8] =	dma.local [hbm:s31], $0x8000  }
0xf9: {  	[hbm:s12], [sflag:s7] =	dma.local [spmem:s3], $0x8000  }
0xfa: {  	[hbm:s14], [sflag:s7] =	dma.local [spmem:s3], $0x8000  }
0xfb: {  	[hbm:s15], [sflag:s7] =	dma.local [spmem:s3], $0x8000  }
0xfc: {  	[hbm:s16], [sflag:s7] =	dma.local [spmem:s3], $0x8000  }
0xfd: {  	_ =	swait.ge [sflag:s8], $0x8000  }
0xfe: {  	[sflag:s8] =	ssyncset.done $0x0  }
0xff: {  	[sflag:s8] =	ssyncadd.s32 $0xFFFF8000;
	_ =	sdelay $0x2  }
0x100: {  	_ =	swait.ge [sflag:s7], $0x8000  }
0x101: {  	[sflag:s7] =	ssyncset.done $0x0  }
0x102: {  	[sflag:s7] =	ssyncadd.s32 $0xFFFF8000;
	_ =	sdelay $0x2  }
0x103: {  	_ =	swait.ge [sflag:s7], $0x8000  }
0x104: {  	[sflag:s7] =	ssyncset.done $0x0  }
0x105: {  	[sflag:s7] =	ssyncadd.s32 $0xFFFF8000;
	_ =	sdelay $0x2  }
0x106: {  	_ =	swait.ge [sflag:s7], $0x8000  }
0x107: {  	[sflag:s7] =	ssyncset.done $0x0  }
0x108: {  	[sflag:s7] =	ssyncadd.s32 $0xFFFF8000;
	_ =	sdelay $0x2  }
0x109: {  	s20 =	sadd.s32 $0x2A8000, s6;
	s17 =	sor.u32 $0xB0000, s10;
	_ =	swait.ge [sflag:s7], $0x8000  }
0x10a: {  	s18 =	sadd.s32 s17, s5;
	s19 =	sadd.s32 $0x1A8000, s6;
	[sflag:s7] =	ssyncset.done $0x0  }
0x10b: {  	s21 =	sadd.s32 $0x3A8000, s6;
	s13 =	sadd.s32 s30, s2;
	[sflag:s7] =	ssyncadd.s32 $0xFFFF8000  }
0x10c: {  	[spmem:s3], [sflag:s11] =	dma.local [hbm:s18], $0x8000  }
0x10d: {  	[hbm:s13], [sflag:s9] =	dma.local [spmem:s4], $0x8000  }
0x10e: {  	[hbm:s19], [sflag:s9] =	dma.local [spmem:s4], $0x8000  }
0x10f: {  	[hbm:s20], [sflag:s9] =	dma.local [spmem:s4], $0x8000  }
0x110: {  	[hbm:s21], [sflag:s9] =	dma.local [spmem:s4], $0x8000  }
0x111: {  	_ =	swait.ge [sflag:s11], $0x8000  }
0x112: {  	[sflag:s11] =	ssyncset.done $0x0  }
0x113: {  	[sflag:s11] =	ssyncadd.s32 $0xFFFF8000;
	_ =	sdelay $0x2  }
0x114: {  	_ =	swait.ge [sflag:s9], $0x8000  }
0x115: {  	[sflag:s9] =	ssyncset.done $0x0  }
0x116: {  	[sflag:s9] =	ssyncadd.s32 $0xFFFF8000;
	_ =	sdelay $0x2  }
0x117: {  	_ =	swait.ge [sflag:s9], $0x8000  }
0x118: {  	[sflag:s9] =	ssyncset.done $0x0  }
0x119: {  	[sflag:s9] =	ssyncadd.s32 $0xFFFF8000;
	_ =	sdelay $0x2  }
0x11a: {  	_ =	swait.ge [sflag:s9], $0x8000  }
0x11b: {  	[sflag:s9] =	ssyncset.done $0x0  }
0x11c: {  	[sflag:s9] =	ssyncadd.s32 $0xFFFF8000;
	_ =	sdelay $0x1  }
0x11d: {  	s10 =	sor.u32 $0xB8000, s10  }
0x11e: {  	s5 =	sadd.s32 s10, s5;
	_ =	swait.ge [sflag:s9], $0x8000  }
0x11f: {  	s24 =	sadd.s32 $0x2B0000, s6;
	s22 =	sadd.s32 s17, s2;
	[sflag:s9] =	ssyncset.done $0x0  }
0x120: {  	s23 =	sadd.s32 $0x1B0000, s6;
	s25 =	sadd.s32 $0x3B0000, s6;
	[sflag:s9] =	ssyncadd.s32 $0xFFFF8000  }
0x121: {  	[spmem:s4], [sflag:s8] =	dma.local [hbm:s5], $0x8000  }
0x122: {  	[hbm:s22], [sflag:s7] =	dma.local [spmem:s3], $0x8000  }
0x123: {  	[hbm:s23], [sflag:s7] =	dma.local [spmem:s3], $0x8000  }
0x124: {  	[hbm:s24], [sflag:s7] =	dma.local [spmem:s3], $0x8000  }
0x125: {  	[hbm:s25], [sflag:s7] =	dma.local [spmem:s3], $0x8000  }
0x126: {  	_ =	swait.ge [sflag:s8], $0x8000  }
0x127: {  	[sflag:s8] =	ssyncset.done $0x0  }
0x128: {  	[sflag:s8] =	ssyncadd.s32 $0xFFFF8000;
	_ =	sdelay $0x2  }
0x129: {  	_ =	swait.ge [sflag:s7], $0x8000  }
0x12a: {  	[sflag:s7] =	ssyncset.done $0x0  }
0x12b: {  	[sflag:s7] =	ssyncadd.s32 $0xFFFF8000;
	_ =	sdelay $0x2  }
0x12c: {  	_ =	swait.ge [sflag:s7], $0x8000  }
0x12d: {  	[sflag:s7] =	ssyncset.done $0x0  }
0x12e: {  	[sflag:s7] =	ssyncadd.s32 $0xFFFF8000;
	_ =	sdelay $0x2  }
0x12f: {  	_ =	swait.ge [sflag:s7], $0x8000  }
0x130: {  	[sflag:s7] =	ssyncset.done $0x0  }
0x131: {  	[sflag:s7] =	ssyncadd.s32 $0xFFFF8000;
	_ =	sdelay $0x2  }
0x132: {  	_ =	swait.ge [sflag:s7], $0x8000  }
0x133: {  	s2 =	sadd.s32 s10, s2;
	s26 =	sadd.s32 $0x1B8000, s6;
	[sflag:s7] =	ssyncset.done $0x0  }
0x134: {  	s28 =	sadd.s32 $0x2B8000, s6;
	s29 =	sadd.s32 $0x3B8000, s6;
	[sflag:s7] =	ssyncadd.s32 $0xFFFF8000  }
0x135: {  	[hbm:s2], [sflag:s9] =	dma.local [spmem:s4], $0x8000  }
0x136: {  	[hbm:s26], [sflag:s9] =	dma.local [spmem:s4], $0x8000  }
0x137: {  	[hbm:s28], [sflag:s9] =	dma.local [spmem:s4], $0x8000  }
0x138: {  	[hbm:s29], [sflag:s9] =	dma.local [spmem:s4], $0x8000  }
0x139: {  	_ =	swait.ge [sflag:s9], $0x8000  }
0x13a: {  	[sflag:s9] =	ssyncset.done $0x0  }
0x13b: {  	[sflag:s9] =	ssyncadd.s32 $0xFFFF8000;
	_ =	sdelay $0x2  }
0x13c: {  	_ =	swait.ge [sflag:s9], $0x8000  }
0x13d: {  	[sflag:s9] =	ssyncset.done $0x0  }
0x13e: {  	[sflag:s9] =	ssyncadd.s32 $0xFFFF8000;
	_ =	sdelay $0x2  }
0x13f: {  	_ =	swait.ge [sflag:s9], $0x8000  }
0x140: {  	[sflag:s9] =	ssyncset.done $0x0  }
0x141: {  	[sflag:s9] =	ssyncadd.s32 $0xFFFF8000;
	_ =	sdelay $0x2  }
0x142: {  	_ =	swait.ge [sflag:s9], $0x8000  }
0x143: {  	[sflag:s9] =	ssyncset.done $0x0  }
0x144: {  	[sflag:s9] =	ssyncadd.s32 $0xFFFF8000  }
0x145: {  	_ =	strace $0x90000046  }
0x146: {  	_ =	sfence  }
0x147: {  	s30 =	sld [smem:$0x0];
	_ =	sdelay $0x2  }
0x148: {  	s31 =	sshll.u32 s1, $0xD;
	s1 =	sshrl.u32 s1, $0x2  }
0x149: {  	s3 =	sand.u32 $0x4000, s31;
	s1 =	sadd.s32 s1, s30  }
0x14a: {  	s0 =	sor.u32 s3, s0;
	s1 =	sshll.u32 s1, $0x11  }
0x14b: {  	s0 =	sor.u32 s1, s0  }
0x14c: {  	s0 =	sadd.s32 $0x8F2B, s0;
	(pc) =	sbr.abs _section_cstart, $3  }
0x14d: {  	[sflag:s0] =	ssyncadd.remote.s32 $0x1  }
0x14e: {  	_ =	strace $0x9FFFFFFF  }
0x14f: {  	(tm) =	ssettm $0x7FFFFFFF  }

</sc_bundles>
